<compile_context>
chip_gen: v7x
topology: tpu7x:2x2x1
jax: 0.10.2.dev20260603
libtpu: 0.0.44.dev20260713+nightly
codegen_flags: <defaults>
</compile_context>

<pallas_src>
import functools

import jax
import jax.numpy as jnp
from jax import lax
from jax.experimental import pallas as pl
from jax.experimental.pallas import tpu as pltpu
from jax.experimental.pallas import tpu_sc as plsc

HEIGHT = 720
WIDTH = 1280
NPTS = HEIGHT * WIDTH
ROWS_PER_BLOCK = 16

NC = 2
NS = 16
NW = NC * NS
PER = NPTS // NW
CHUNK = 19200
UNROLL = 12


def _project_body(params_ref, label_ref, lin_ref):
    r = pl.program_id(0)
    fx = params_ref[0, 0]
    fy = params_ref[0, 1]
    ccx = params_ref[0, 2]
    ccy = params_ref[0, 3]
    mvx = params_ref[0, 4]
    mvy = params_ref[0, 5]
    r00 = params_ref[0, 6]
    r01 = params_ref[0, 7]
    r02 = params_ref[0, 8]
    r10 = params_ref[0, 9]
    r11 = params_ref[0, 10]
    r12 = params_ref[0, 11]
    r20 = params_ref[0, 12]
    r21 = params_ref[0, 13]
    r22 = params_ref[0, 14]
    t0 = params_ref[0, 15]
    t1 = params_ref[0, 16]
    t2 = params_ref[0, 17]

    label = label_ref[...]
    shape = label.shape
    U = jax.lax.broadcasted_iota(jnp.int32, shape, 1).astype(jnp.float32)
    V = (
        jax.lax.broadcasted_iota(jnp.int32, shape, 0) + r * ROWS_PER_BLOCK
    ).astype(jnp.float32)
    depth = label * 1000.0
    Z = label
    X = (U - ccx) * Z / fx
    Y = (V - ccy) * Z / fy

    def bf16_rne(t):
        bi = jax.lax.bitcast_convert_type(t, jnp.int32)
        lsb = jax.lax.shift_right_logical(bi, 16) & 1
        bi = bi + 32767 + lsb
        bi = bi & jnp.int32(-65536)
        return jax.lax.bitcast_convert_type(bi, jnp.float32)

    x3 = bf16_rne(X * 1000.0)
    y3 = bf16_rne(Y * 1000.0)
    z3 = bf16_rne(Z * 1000.0)
    b = bf16_rne
    rt0 = b(r00) * x3 + b(r01) * y3 + b(r02) * z3 + t0
    rt1 = b(r10) * x3 + b(r11) * y3 + b(r12) * z3 + t1
    rt2 = b(r20) * x3 + b(r21) * y3 + b(r22) * z3 + t2
    x = rt0 / rt2
    y = rt1 / rt2
    pixel_u = x * fx + ccx + mvx
    pixel_v = y * fy + ccy + mvy
    pixel_u = jnp.where((pixel_u <= 0) | (pixel_u > 1279.5), 0.0, pixel_u)
    pixel_v = jnp.where((pixel_v <= 0) | (pixel_v > 719.5), 0.0, pixel_v)
    iu = jnp.round(pixel_v).astype(jnp.int32)
    iv = jnp.round(pixel_u).astype(jnp.int32)
    inb = (depth > 0.0) & (iu < HEIGHT) & (iv < WIDTH)
    lin_ref[...] = jnp.where(inb, iu * WIDTH + iv, NPTS)


def _project(label, params):
    grid = HEIGHT // ROWS_PER_BLOCK
    return pl.pallas_call(
        _project_body,
        grid=(grid,),
        in_specs=[
            pl.BlockSpec(memory_space=pltpu.SMEM),
            pl.BlockSpec((ROWS_PER_BLOCK, WIDTH), lambda r: (r, 0)),
        ],
        out_specs=pl.BlockSpec((ROWS_PER_BLOCK, WIDTH), lambda r: (r, 0)),
        out_shape=jax.ShapeDtypeStruct((HEIGHT, WIDTH), jnp.int32),
    )(params, label)


@functools.partial(
    pl.kernel,
    mesh=plsc.VectorSubcoreMesh(core_axis_name="c", subcore_axis_name="s"),
    out_type=jax.ShapeDtypeStruct((NPTS,), jnp.float32),
    compiler_params=pltpu.CompilerParams(needs_layout_passes=False),
    scratch_types=[
        pltpu.VMEM((CHUNK,), jnp.int32),
        pltpu.VMEM((CHUNK,), jnp.float32),
        pltpu.VMEM((CHUNK,), jnp.int32),
        pltpu.VMEM((CHUNK,), jnp.float32),
        pltpu.VMEM((PER,), jnp.float32),
        pltpu.SemaphoreType.DMA,
        pltpu.SemaphoreType.DMA,
    ],
)
def _sc_scatter(lin_hbm, lab_hbm, out_hbm, lin_v0, lab_v0, lin_v1, lab_v1, out_v, sem0, sem1):
    wid = lax.axis_index("s") * NC + lax.axis_index("c")
    base = wid * PER

    zero = jnp.zeros((16,), jnp.float32)

    def zbody(i, carry):
        out_v[pl.ds(i * 16, 16)] = zero
        return carry

    def start(c, lin_b, lab_b, sem):
        pltpu.async_copy(lin_hbm.at[pl.ds(c * CHUNK, CHUNK)], lin_b, sem)
        pltpu.async_copy(lab_hbm.at[pl.ds(c * CHUNK, CHUNK)], lab_b, sem)

    def wait(c, lin_b, lab_b, sem):
        pltpu.make_async_copy(lin_hbm.at[pl.ds(c * CHUNK, CHUNK)], lin_b, sem).wait()
        pltpu.make_async_copy(lab_hbm.at[pl.ds(c * CHUNK, CHUNK)], lab_b, sem).wait()

    def scan(lin_b, lab_b):
        def jbody(j, icarry):
            for u in range(UNROLL):
                off = (j * UNROLL + u) * 16
                l = lin_b[pl.ds(off, 16)]
                loc = l - base
                m = loc.astype(jnp.uint32) < jnp.uint32(PER)
                dv = lab_b[pl.ds(off, 16)] * 1000.0
                plsc.store_scatter(out_v, [loc], dv, mask=m)
            return icarry

        lax.fori_loop(0, CHUNK // (16 * UNROLL), jbody, 0)

    start(0, lin_v0, lab_v0, sem0)
    lax.fori_loop(0, PER // 16, zbody, 0)

    npair = NPTS // CHUNK // 2

    def pbody(p, carry):
        c0 = p * 2
        wait(c0, lin_v0, lab_v0, sem0)
        start(c0 + 1, lin_v1, lab_v1, sem1)
        scan(lin_v0, lab_v0)
        wait(c0 + 1, lin_v1, lab_v1, sem1)

        @pl.when(p < npair - 1)
        def _():
            start(c0 + 2, lin_v0, lab_v0, sem0)

        scan(lin_v1, lab_v1)
        return carry

    lax.fori_loop(0, npair, pbody, 0)
    pltpu.sync_copy(out_v, out_hbm.at[pl.ds(base, PER)])


def kernel(label, focal_x, focal_y, ccx, ccy, mov_x, mov_y, R, trans):
    params = jnp.concatenate(
        [
            jnp.stack([focal_x, focal_y, ccx, ccy, mov_x, mov_y]),
            R.reshape(-1),
            trans.reshape(-1),
        ]
    ).reshape(1, 18)
    lin = _project(label, params)
    out = _sc_scatter(lin.reshape(-1), label.reshape(-1))
    return out.reshape(HEIGHT, WIDTH)

# --- scband reference (transcript-rebuilt; emitter-appended) ---
"""Pipeline reference for scband-intrinsics-net-40578851013202 (READ-ONLY COPY).

The authoritative reference and input builder live on the scoring server;
editing this copy changes nothing except your own understanding.
"""

import jax, jax.numpy as jnp
import numpy as np

HEIGHT = 720
WIDTH = 1280


def setup_inputs(seed: int = 0):
    key = jax.random.key(seed)
    label = jax.random.uniform(jax.random.fold_in(key, 0), (HEIGHT, WIDTH), dtype=jnp.float32)
    return {
        "label": label,
        "focal_x": jnp.float32(833.85782381),
        "focal_y": jnp.float32(865.972622029),
        "ccx": jnp.float32(319.69045284208),
        "ccy": jnp.float32(200.489004453523),
        "mov_x": jnp.float32(-10.0),
        "mov_y": jnp.float32(17.5),
        "R": jnp.eye(3, dtype=jnp.float32),
        "trans": jnp.array([-121.952452666493 + 250.0, 189.727110138437 - 300.0, -813.867721109518], dtype=jnp.float32).reshape(3, 1),
    }


def reference(label, focal_x, focal_y, ccx, ccy, mov_x, mov_y, R, trans):
    depthscale = 1000.0
    depth_image = label * depthscale
    U = jnp.broadcast_to(jnp.arange(WIDTH, dtype=jnp.float32).reshape(1, -1), (HEIGHT, WIDTH))
    V = jnp.broadcast_to(jnp.arange(HEIGHT, dtype=jnp.float32).reshape(-1, 1), (HEIGHT, WIDTH))
    Z = depth_image / depthscale
    X = (U - ccx) * Z / focal_x
    Y = (V - ccy) * Z / focal_y
    XYZ = jnp.stack((X, Y, Z), axis=-1)
    valid = (depth_image > 0).reshape(-1)
    # torch builds xyz_matrix (NaN where invalid), gathers only valid points via
    # argwhere, and scatter-writes them. Equivalent static-shape form: compute the
    # reprojection densely for every pixel and drop invalid pixels' scatter writes.
    xyz = XYZ.reshape(-1, 3).T * 1000.0  # (3, H*W)
    rt = R @ xyz + trans
    x = rt[0, :] / rt[2, :]
    y = rt[1, :] / rt[2, :]
    pixel_u = x * focal_x + ccx + mov_x
    pixel_v = y * focal_y + ccy + mov_y
    pixel_u = jnp.where((pixel_u <= 0) | (pixel_u > 1279.5), 0.0, pixel_u)
    pixel_v = jnp.where((pixel_v <= 0) | (pixel_v > 719.5), 0.0, pixel_v)
    pu, pv = pixel_v, pixel_u  # swap as in torch code
    iu = jax.lax.stop_gradient(jnp.round(pu)).astype(jnp.int32)
    iv = jax.lax.stop_gradient(jnp.round(pv)).astype(jnp.int32)
    # invalid (depth <= 0) pixels are excluded in torch; route them out of bounds
    # and use mode='drop' so they are not written.
    iu = jnp.where(valid, iu, HEIGHT)
    iv = jnp.where(valid, iv, WIDTH)
    new_label = jnp.zeros((HEIGHT, WIDTH), dtype=jnp.float32).at[iu, iv].set(
        depth_image.reshape(-1), mode="drop"
    )
    return new_label

if __name__ == "__main__":
    import jax
    _d = setup_inputs()
    print(jax.jit(kernel)(*tuple(_d.values())))

</pallas_src>

<mosaic_0001>
#map = affine_map<(d0, d1) -> (0)>
module attributes {stable_mosaic.version = 14 : i64} {
  func.func @_sc_scatter(%arg0: i32, %arg1: i32, %arg2: memref<921600xi32, #tpu.memory_space<hbm>>, %arg3: memref<921600xf32, #tpu.memory_space<hbm>>, %arg4: memref<921600xf32, #tpu.memory_space<hbm>>, %arg5: memref<19200xi32, #tpu.memory_space<vmem>>, %arg6: memref<19200xf32, #tpu.memory_space<vmem>>, %arg7: memref<19200xi32, #tpu.memory_space<vmem>>, %arg8: memref<19200xf32, #tpu.memory_space<vmem>>, %arg9: memref<28800xf32, #tpu.memory_space<vmem>>, %arg10: memref<!tpu.dma_semaphore, #tpu.memory_space<semaphore_mem>>, %arg11: memref<!tpu.dma_semaphore, #tpu.memory_space<semaphore_mem>>) attributes {dimension_semantics = [#tpu.dimension_semantics<core_parallel>, #tpu.dimension_semantics<subcore_parallel>], iteration_bounds = array<i64: 2, 16>, scalar_prefetch = 0 : i64, scratch_operands = 7 : i64, tpu.core_type = #tpu.core_type<sc_vector_subcore>, window_params = [{transform_indices = #map}, {transform_indices = #map}, {transform_indices = #map}]} {
    %mul3A = arith.constant 2 : i32
    %mul3A_0 = arith.muli %arg1, %mul3A : i32
    %add3A = arith.addi %mul3A_0, %arg0 : i32
    %mul3A_1 = arith.constant 28800 : i32
    %mul3A_2 = arith.muli %add3A, %mul3A_1 : i32
    %broadcast_in_dim3A = arith.constant 0.000000e+00 : f32
    %broadcast_in_dim3A_3 = vector.broadcast %broadcast_in_dim3A : f32 to vector<16xf32>
    %dma_start3A = arith.constant 0 : i32
    %dma_start3A_4 = tpu.memref_slice %arg2[%dma_start3A] : memref<921600xi32, #tpu.memory_space<hbm>> -> memref<19200xi32, #tpu.memory_space<hbm>>
    %dma_start3A_5 = arith.constant 0 : i32
    %dma_start3A_6 = tpu.memref_slice %arg2[%dma_start3A_5] : memref<921600xi32, #tpu.memory_space<hbm>> -> memref<19200xi32, #tpu.memory_space<hbm>>
    tpu.enqueue_dma source(%dma_start3A_6 : memref<19200xi32, #tpu.memory_space<hbm>>) target(%arg5 : memref<19200xi32, #tpu.memory_space<vmem>>) target_semaphore(%arg10 : memref<!tpu.dma_semaphore, #tpu.memory_space<semaphore_mem>>)
    %dma_start3A_7 = arith.constant 0 : i32
    %dma_start3A_8 = tpu.memref_slice %arg3[%dma_start3A_7] : memref<921600xf32, #tpu.memory_space<hbm>> -> memref<19200xf32, #tpu.memory_space<hbm>>
    %dma_start3A_9 = arith.constant 0 : i32
    %dma_start3A_10 = tpu.memref_slice %arg3[%dma_start3A_9] : memref<921600xf32, #tpu.memory_space<hbm>> -> memref<19200xf32, #tpu.memory_space<hbm>>
    tpu.enqueue_dma source(%dma_start3A_10 : memref<19200xf32, #tpu.memory_space<hbm>>) target(%arg6 : memref<19200xf32, #tpu.memory_space<vmem>>) target_semaphore(%arg10 : memref<!tpu.dma_semaphore, #tpu.memory_space<semaphore_mem>>)
    %scan3A = arith.constant 0 : i32
    %scan3A_11 = arith.constant 0 : i32
    %scan3A_12 = arith.constant 1800 : i32
    %scan3A_13 = arith.addi %scan3A_11, %scan3A_12 : i32
    %scan3A_14 = arith.constant 1 : i32
    scf.for %scan3A_22 = %scan3A_11 to %scan3A_13 step %scan3A_14  : i32 {
      %mul3A_23 = arith.constant 16 : i32
      %mul3A_24 = arith.muli %scan3A_22, %mul3A_23 : i32
      %swap3A = arith.index_cast %mul3A_24 : i32 to index
      %swap3A_25 = tpu.vector_load %arg9[%swap3A] {strides = array<i32>} : memref<28800xf32, #tpu.memory_space<vmem>>, vector<16xf32>,
      tpu.vector_store %arg9[%swap3A], %broadcast_in_dim3A_3 {strides = array<i32>} : memref<28800xf32, #tpu.memory_space<vmem>>, vector<16xf32>,
    }
    %scan3A_15 = arith.constant 1800 : i32
    %scan3A_16 = arith.constant 0 : i32
    %scan3A_17 = arith.constant 0 : i32
    %scan3A_18 = arith.constant 24 : i32
    %scan3A_19 = arith.addi %scan3A_17, %scan3A_18 : i32
    %scan3A_20 = arith.constant 1 : i32
    scf.for %scan3A_22 = %scan3A_17 to %scan3A_19 step %scan3A_20  : i32 {
      %mul3A_23 = arith.constant 2 : i32
      %mul3A_24 = arith.muli %scan3A_22, %mul3A_23 : i32
      %mul3A_25 = arith.constant 19200 : i32
      %mul3A_26 = arith.muli %mul3A_24, %mul3A_25 : i32
      %dma_wait3A = tpu.memref_slice %arg2[%mul3A_26] : memref<921600xi32, #tpu.memory_space<hbm>> -> memref<19200xi32, #tpu.memory_space<hbm>>
      %dma_wait3A_27 = tpu.memref_slice %arg2[%mul3A_26] : memref<921600xi32, #tpu.memory_space<hbm>> -> memref<19200xi32, #tpu.memory_space<hbm>>
      tpu.wait_dma2 semaphore(%arg10 : memref<!tpu.dma_semaphore, #tpu.memory_space<semaphore_mem>>) src(%dma_wait3A_27 : memref<19200xi32, #tpu.memory_space<hbm>>) dst(%arg5 : memref<19200xi32, #tpu.memory_space<vmem>>)
      %mul3A_28 = arith.constant 19200 : i32
      %mul3A_29 = arith.muli %mul3A_24, %mul3A_28 : i32
      %dma_wait3A_30 = tpu.memref_slice %arg3[%mul3A_29] : memref<921600xf32, #tpu.memory_space<hbm>> -> memref<19200xf32, #tpu.memory_space<hbm>>
      %dma_wait3A_31 = tpu.memref_slice %arg3[%mul3A_29] : memref<921600xf32, #tpu.memory_space<hbm>> -> memref<19200xf32, #tpu.memory_space<hbm>>
      tpu.wait_dma2 semaphore(%arg10 : memref<!tpu.dma_semaphore, #tpu.memory_space<semaphore_mem>>) src(%dma_wait3A_31 : memref<19200xf32, #tpu.memory_space<hbm>>) dst(%arg6 : memref<19200xf32, #tpu.memory_space<vmem>>)
      %add3A_32 = arith.constant 1 : i32
      %add3A_33 = arith.addi %mul3A_24, %add3A_32 : i32
      %mul3A_34 = arith.constant 19200 : i32
      %mul3A_35 = arith.muli %add3A_33, %mul3A_34 : i32
      %dma_start3A_36 = tpu.memref_slice %arg2[%mul3A_35] : memref<921600xi32, #tpu.memory_space<hbm>> -> memref<19200xi32, #tpu.memory_space<hbm>>
      %dma_start3A_37 = tpu.memref_slice %arg2[%mul3A_35] : memref<921600xi32, #tpu.memory_space<hbm>> -> memref<19200xi32, #tpu.memory_space<hbm>>
      tpu.enqueue_dma source(%dma_start3A_37 : memref<19200xi32, #tpu.memory_space<hbm>>) target(%arg7 : memref<19200xi32, #tpu.memory_space<vmem>>) target_semaphore(%arg11 : memref<!tpu.dma_semaphore, #tpu.memory_space<semaphore_mem>>)
      %mul3A_38 = arith.constant 19200 : i32
      %mul3A_39 = arith.muli %add3A_33, %mul3A_38 : i32
      %dma_start3A_40 = tpu.memref_slice %arg3[%mul3A_39] : memref<921600xf32, #tpu.memory_space<hbm>> -> memref<19200xf32, #tpu.memory_space<hbm>>
      %dma_start3A_41 = tpu.memref_slice %arg3[%mul3A_39] : memref<921600xf32, #tpu.memory_space<hbm>> -> memref<19200xf32, #tpu.memory_space<hbm>>
      tpu.enqueue_dma source(%dma_start3A_41 : memref<19200xf32, #tpu.memory_space<hbm>>) target(%arg8 : memref<19200xf32, #tpu.memory_space<vmem>>) target_semaphore(%arg11 : memref<!tpu.dma_semaphore, #tpu.memory_space<semaphore_mem>>)
      %scan3A_42 = arith.constant 0 : i32
      %scan3A_43 = arith.constant 0 : i32
      %scan3A_44 = arith.constant 100 : i32
      %scan3A_45 = arith.addi %scan3A_43, %scan3A_44 : i32
      %scan3A_46 = arith.constant 1 : i32
      scf.for %scan3A_66 = %scan3A_43 to %scan3A_45 step %scan3A_46  : i32 {
        %mul3A_67 = arith.constant 12 : i32
        %mul3A_68 = arith.muli %scan3A_66, %mul3A_67 : i32
        %add3A_69 = arith.constant 0 : i32
        %add3A_70 = arith.addi %mul3A_68, %add3A_69 : i32
        %mul3A_71 = arith.constant 16 : i32
        %mul3A_72 = arith.muli %add3A_70, %mul3A_71 : i32
        %get3A = arith.index_cast %mul3A_72 : i32 to index
        %get3A_73 = tpu.vector_load %arg5[%get3A] {strides = array<i32>} : memref<19200xi32, #tpu.memory_space<vmem>>, vector<16xi32>,
        %sub3A = vector.broadcast %mul3A_2 : i32 to vector<16xi32>
        %sub3A_74 = arith.subi %get3A_73, %sub3A : vector<16xi32>
        %lt3A_75 = arith.constant 28800 : i32
        %lt3A_76 = vector.broadcast %lt3A_75 : i32 to vector<16xi32>
        %lt3A_77 = arith.cmpi ult, %sub3A_74, %lt3A_76 : vector<16xi32>
        %get3A_78 = arith.index_cast %mul3A_72 : i32 to index
        %get3A_79 = tpu.vector_load %arg6[%get3A_78] {strides = array<i32>} : memref<19200xf32, #tpu.memory_space<vmem>>, vector<16xf32>,
        %mul3A_80 = arith.constant 1.000000e+03 : f32
        %mul3A_81 = vector.broadcast %mul3A_80 : f32 to vector<16xf32>
        %mul3A_82 = arith.mulf %get3A_79, %mul3A_81 : vector<16xf32>
        tpu.vector_store_idx %arg9[%sub3A_74], %mul3A_82 masked %lt3A_77 : memref<28800xf32, #tpu.memory_space<vmem>>[vector<16xi32>], vector<16xf32>, vector<16xi1>
        %mul3A_83 = arith.constant 12 : i32
        %mul3A_84 = arith.muli %scan3A_66, %mul3A_83 : i32
        %add3A_85 = arith.constant 1 : i32
        %add3A_86 = arith.addi %mul3A_84, %add3A_85 : i32
        %mul3A_87 = arith.constant 16 : i32
        %mul3A_88 = arith.muli %add3A_86, %mul3A_87 : i32
        %get3A_89 = arith.index_cast %mul3A_88 : i32 to index
        %get3A_90 = tpu.vector_load %arg5[%get3A_89] {strides = array<i32>} : memref<19200xi32, #tpu.memory_space<vmem>>, vector<16xi32>,
        %sub3A_91 = vector.broadcast %mul3A_2 : i32 to vector<16xi32>
        %sub3A_92 = arith.subi %get3A_90, %sub3A_91 : vector<16xi32>
        %lt3A_93 = arith.constant 28800 : i32
        %lt3A_94 = vector.broadcast %lt3A_93 : i32 to vector<16xi32>
        %lt3A_95 = arith.cmpi ult, %sub3A_92, %lt3A_94 : vector<16xi32>
        %get3A_96 = arith.index_cast %mul3A_88 : i32 to index
        %get3A_97 = tpu.vector_load %arg6[%get3A_96] {strides = array<i32>} : memref<19200xf32, #tpu.memory_space<vmem>>, vector<16xf32>,
        %mul3A_98 = arith.constant 1.000000e+03 : f32
        %mul3A_99 = vector.broadcast %mul3A_98 : f32 to vector<16xf32>
        %mul3A_100 = arith.mulf %get3A_97, %mul3A_99 : vector<16xf32>
        tpu.vector_store_idx %arg9[%sub3A_92], %mul3A_100 masked %lt3A_95 : memref<28800xf32, #tpu.memory_space<vmem>>[vector<16xi32>], vector<16xf32>, vector<16xi1>
        %mul3A_101 = arith.constant 12 : i32
        %mul3A_102 = arith.muli %scan3A_66, %mul3A_101 : i32
        %add3A_103 = arith.constant 2 : i32
        %add3A_104 = arith.addi %mul3A_102, %add3A_103 : i32
        %mul3A_105 = arith.constant 16 : i32
        %mul3A_106 = arith.muli %add3A_104, %mul3A_105 : i32
        %get3A_107 = arith.index_cast %mul3A_106 : i32 to index
        %get3A_108 = tpu.vector_load %arg5[%get3A_107] {strides = array<i32>} : memref<19200xi32, #tpu.memory_space<vmem>>, vector<16xi32>,
        %sub3A_109 = vector.broadcast %mul3A_2 : i32 to vector<16xi32>
        %sub3A_110 = arith.subi %get3A_108, %sub3A_109 : vector<16xi32>
        %lt3A_111 = arith.constant 28800 : i32
        %lt3A_112 = vector.broadcast %lt3A_111 : i32 to vector<16xi32>
        %lt3A_113 = arith.cmpi ult, %sub3A_110, %lt3A_112 : vector<16xi32>
        %get3A_114 = arith.index_cast %mul3A_106 : i32 to index
        %get3A_115 = tpu.vector_load %arg6[%get3A_114] {strides = array<i32>} : memref<19200xf32, #tpu.memory_space<vmem>>, vector<16xf32>,
        %mul3A_116 = arith.constant 1.000000e+03 : f32
        %mul3A_117 = vector.broadcast %mul3A_116 : f32 to vector<16xf32>
        %mul3A_118 = arith.mulf %get3A_115, %mul3A_117 : vector<16xf32>
        tpu.vector_store_idx %arg9[%sub3A_110], %mul3A_118 masked %lt3A_113 : memref<28800xf32, #tpu.memory_space<vmem>>[vector<16xi32>], vector<16xf32>, vector<16xi1>
        %mul3A_119 = arith.constant 12 : i32
        %mul3A_120 = arith.muli %scan3A_66, %mul3A_119 : i32
        %add3A_121 = arith.constant 3 : i32
        %add3A_122 = arith.addi %mul3A_120, %add3A_121 : i32
        %mul3A_123 = arith.constant 16 : i32
        %mul3A_124 = arith.muli %add3A_122, %mul3A_123 : i32
        %get3A_125 = arith.index_cast %mul3A_124 : i32 to index
        %get3A_126 = tpu.vector_load %arg5[%get3A_125] {strides = array<i32>} : memref<19200xi32, #tpu.memory_space<vmem>>, vector<16xi32>,
        %sub3A_127 = vector.broadcast %mul3A_2 : i32 to vector<16xi32>
        %sub3A_128 = arith.subi %get3A_126, %sub3A_127 : vector<16xi32>
        %lt3A_129 = arith.constant 28800 : i32
        %lt3A_130 = vector.broadcast %lt3A_129 : i32 to vector<16xi32>
        %lt3A_131 = arith.cmpi ult, %sub3A_128, %lt3A_130 : vector<16xi32>
        %get3A_132 = arith.index_cast %mul3A_124 : i32 to index
        %get3A_133 = tpu.vector_load %arg6[%get3A_132] {strides = array<i32>} : memref<19200xf32, #tpu.memory_space<vmem>>, vector<16xf32>,
        %mul3A_134 = arith.constant 1.000000e+03 : f32
        %mul3A_135 = vector.broadcast %mul3A_134 : f32 to vector<16xf32>
        %mul3A_136 = arith.mulf %get3A_133, %mul3A_135 : vector<16xf32>
        tpu.vector_store_idx %arg9[%sub3A_128], %mul3A_136 masked %lt3A_131 : memref<28800xf32, #tpu.memory_space<vmem>>[vector<16xi32>], vector<16xf32>, vector<16xi1>
        %mul3A_137 = arith.constant 12 : i32
        %mul3A_138 = arith.muli %scan3A_66, %mul3A_137 : i32
        %add3A_139 = arith.constant 4 : i32
        %add3A_140 = arith.addi %mul3A_138, %add3A_139 : i32
        %mul3A_141 = arith.constant 16 : i32
        %mul3A_142 = arith.muli %add3A_140, %mul3A_141 : i32
        %get3A_143 = arith.index_cast %mul3A_142 : i32 to index
        %get3A_144 = tpu.vector_load %arg5[%get3A_143] {strides = array<i32>} : memref<19200xi32, #tpu.memory_space<vmem>>, vector<16xi32>,
        %sub3A_145 = vector.broadcast %mul3A_2 : i32 to vector<16xi32>
        %sub3A_146 = arith.subi %get3A_144, %sub3A_145 : vector<16xi32>
        %lt3A_147 = arith.constant 28800 : i32
        %lt3A_148 = vector.broadcast %lt3A_147 : i32 to vector<16xi32>
        %lt3A_149 = arith.cmpi ult, %sub3A_146, %lt3A_148 : vector<16xi32>
        %get3A_150 = arith.index_cast %mul3A_142 : i32 to index
        %get3A_151 = tpu.vector_load %arg6[%get3A_150] {strides = array<i32>} : memref<19200xf32, #tpu.memory_space<vmem>>, vector<16xf32>,
        %mul3A_152 = arith.constant 1.000000e+03 : f32
        %mul3A_153 = vector.broadcast %mul3A_152 : f32 to vector<16xf32>
        %mul3A_154 = arith.mulf %get3A_151, %mul3A_153 : vector<16xf32>
        tpu.vector_store_idx %arg9[%sub3A_146], %mul3A_154 masked %lt3A_149 : memref<28800xf32, #tpu.memory_space<vmem>>[vector<16xi32>], vector<16xf32>, vector<16xi1>
        %mul3A_155 = arith.constant 12 : i32
        %mul3A_156 = arith.muli %scan3A_66, %mul3A_155 : i32
        %add3A_157 = arith.constant 5 : i32
        %add3A_158 = arith.addi %mul3A_156, %add3A_157 : i32
        %mul3A_159 = arith.constant 16 : i32
        %mul3A_160 = arith.muli %add3A_158, %mul3A_159 : i32
        %get3A_161 = arith.index_cast %mul3A_160 : i32 to index
        %get3A_162 = tpu.vector_load %arg5[%get3A_161] {strides = array<i32>} : memref<19200xi32, #tpu.memory_space<vmem>>, vector<16xi32>,
        %sub3A_163 = vector.broadcast %mul3A_2 : i32 to vector<16xi32>
        %sub3A_164 = arith.subi %get3A_162, %sub3A_163 : vector<16xi32>
        %lt3A_165 = arith.constant 28800 : i32
        %lt3A_166 = vector.broadcast %lt3A_165 : i32 to vector<16xi32>
        %lt3A_167 = arith.cmpi ult, %sub3A_164, %lt3A_166 : vector<16xi32>
        %get3A_168 = arith.index_cast %mul3A_160 : i32 to index
        %get3A_169 = tpu.vector_load %arg6[%get3A_168] {strides = array<i32>} : memref<19200xf32, #tpu.memory_space<vmem>>, vector<16xf32>,
        %mul3A_170 = arith.constant 1.000000e+03 : f32
        %mul3A_171 = vector.broadcast %mul3A_170 : f32 to vector<16xf32>
        %mul3A_172 = arith.mulf %get3A_169, %mul3A_171 : vector<16xf32>
        tpu.vector_store_idx %arg9[%sub3A_164], %mul3A_172 masked %lt3A_167 : memref<28800xf32, #tpu.memory_space<vmem>>[vector<16xi32>], vector<16xf32>, vector<16xi1>
        %mul3A_173 = arith.constant 12 : i32
        %mul3A_174 = arith.muli %scan3A_66, %mul3A_173 : i32
        %add3A_175 = arith.constant 6 : i32
        %add3A_176 = arith.addi %mul3A_174, %add3A_175 : i32
        %mul3A_177 = arith.constant 16 : i32
        %mul3A_178 = arith.muli %add3A_176, %mul3A_177 : i32
        %get3A_179 = arith.index_cast %mul3A_178 : i32 to index
        %get3A_180 = tpu.vector_load %arg5[%get3A_179] {strides = array<i32>} : memref<19200xi32, #tpu.memory_space<vmem>>, vector<16xi32>,
        %sub3A_181 = vector.broadcast %mul3A_2 : i32 to vector<16xi32>
        %sub3A_182 = arith.subi %get3A_180, %sub3A_181 : vector<16xi32>
        %lt3A_183 = arith.constant 28800 : i32
        %lt3A_184 = vector.broadcast %lt3A_183 : i32 to vector<16xi32>
        %lt3A_185 = arith.cmpi ult, %sub3A_182, %lt3A_184 : vector<16xi32>
        %get3A_186 = arith.index_cast %mul3A_178 : i32 to index
        %get3A_187 = tpu.vector_load %arg6[%get3A_186] {strides = array<i32>} : memref<19200xf32, #tpu.memory_space<vmem>>, vector<16xf32>,
        %mul3A_188 = arith.constant 1.000000e+03 : f32
        %mul3A_189 = vector.broadcast %mul3A_188 : f32 to vector<16xf32>
        %mul3A_190 = arith.mulf %get3A_187, %mul3A_189 : vector<16xf32>
        tpu.vector_store_idx %arg9[%sub3A_182], %mul3A_190 masked %lt3A_185 : memref<28800xf32, #tpu.memory_space<vmem>>[vector<16xi32>], vector<16xf32>, vector<16xi1>
        %mul3A_191 = arith.constant 12 : i32
        %mul3A_192 = arith.muli %scan3A_66, %mul3A_191 : i32
        %add3A_193 = arith.constant 7 : i32
        %add3A_194 = arith.addi %mul3A_192, %add3A_193 : i32
        %mul3A_195 = arith.constant 16 : i32
        %mul3A_196 = arith.muli %add3A_194, %mul3A_195 : i32
        %get3A_197 = arith.index_cast %mul3A_196 : i32 to index
        %get3A_198 = tpu.vector_load %arg5[%get3A_197] {strides = array<i32>} : memref<19200xi32, #tpu.memory_space<vmem>>, vector<16xi32>,
        %sub3A_199 = vector.broadcast %mul3A_2 : i32 to vector<16xi32>
        %sub3A_200 = arith.subi %get3A_198, %sub3A_199 : vector<16xi32>
        %lt3A_201 = arith.constant 28800 : i32
        %lt3A_202 = vector.broadcast %lt3A_201 : i32 to vector<16xi32>
        %lt3A_203 = arith.cmpi ult, %sub3A_200, %lt3A_202 : vector<16xi32>
        %get3A_204 = arith.index_cast %mul3A_196 : i32 to index
        %get3A_205 = tpu.vector_load %arg6[%get3A_204] {strides = array<i32>} : memref<19200xf32, #tpu.memory_space<vmem>>, vector<16xf32>,
        %mul3A_206 = arith.constant 1.000000e+03 : f32
        %mul3A_207 = vector.broadcast %mul3A_206 : f32 to vector<16xf32>
        %mul3A_208 = arith.mulf %get3A_205, %mul3A_207 : vector<16xf32>
        tpu.vector_store_idx %arg9[%sub3A_200], %mul3A_208 masked %lt3A_203 : memref<28800xf32, #tpu.memory_space<vmem>>[vector<16xi32>], vector<16xf32>, vector<16xi1>
        %mul3A_209 = arith.constant 12 : i32
        %mul3A_210 = arith.muli %scan3A_66, %mul3A_209 : i32
        %add3A_211 = arith.constant 8 : i32
        %add3A_212 = arith.addi %mul3A_210, %add3A_211 : i32
        %mul3A_213 = arith.constant 16 : i32
        %mul3A_214 = arith.muli %add3A_212, %mul3A_213 : i32
        %get3A_215 = arith.index_cast %mul3A_214 : i32 to index
        %get3A_216 = tpu.vector_load %arg5[%get3A_215] {strides = array<i32>} : memref<19200xi32, #tpu.memory_space<vmem>>, vector<16xi32>,
        %sub3A_217 = vector.broadcast %mul3A_2 : i32 to vector<16xi32>
        %sub3A_218 = arith.subi %get3A_216, %sub3A_217 : vector<16xi32>
        %lt3A_219 = arith.constant 28800 : i32
        %lt3A_220 = vector.broadcast %lt3A_219 : i32 to vector<16xi32>
        %lt3A_221 = arith.cmpi ult, %sub3A_218, %lt3A_220 : vector<16xi32>
        %get3A_222 = arith.index_cast %mul3A_214 : i32 to index
        %get3A_223 = tpu.vector_load %arg6[%get3A_222] {strides = array<i32>} : memref<19200xf32, #tpu.memory_space<vmem>>, vector<16xf32>,
        %mul3A_224 = arith.constant 1.000000e+03 : f32
        %mul3A_225 = vector.broadcast %mul3A_224 : f32 to vector<16xf32>
        %mul3A_226 = arith.mulf %get3A_223, %mul3A_225 : vector<16xf32>
        tpu.vector_store_idx %arg9[%sub3A_218], %mul3A_226 masked %lt3A_221 : memref<28800xf32, #tpu.memory_space<vmem>>[vector<16xi32>], vector<16xf32>, vector<16xi1>
        %mul3A_227 = arith.constant 12 : i32
        %mul3A_228 = arith.muli %scan3A_66, %mul3A_227 : i32
        %add3A_229 = arith.constant 9 : i32
        %add3A_230 = arith.addi %mul3A_228, %add3A_229 : i32
        %mul3A_231 = arith.constant 16 : i32
        %mul3A_232 = arith.muli %add3A_230, %mul3A_231 : i32
        %get3A_233 = arith.index_cast %mul3A_232 : i32 to index
        %get3A_234 = tpu.vector_load %arg5[%get3A_233] {strides = array<i32>} : memref<19200xi32, #tpu.memory_space<vmem>>, vector<16xi32>,
        %sub3A_235 = vector.broadcast %mul3A_2 : i32 to vector<16xi32>
        %sub3A_236 = arith.subi %get3A_234, %sub3A_235 : vector<16xi32>
        %lt3A_237 = arith.constant 28800 : i32
        %lt3A_238 = vector.broadcast %lt3A_237 : i32 to vector<16xi32>
        %lt3A_239 = arith.cmpi ult, %sub3A_236, %lt3A_238 : vector<16xi32>
        %get3A_240 = arith.index_cast %mul3A_232 : i32 to index
        %get3A_241 = tpu.vector_load %arg6[%get3A_240] {strides = array<i32>} : memref<19200xf32, #tpu.memory_space<vmem>>, vector<16xf32>,
        %mul3A_242 = arith.constant 1.000000e+03 : f32
        %mul3A_243 = vector.broadcast %mul3A_242 : f32 to vector<16xf32>
        %mul3A_244 = arith.mulf %get3A_241, %mul3A_243 : vector<16xf32>
        tpu.vector_store_idx %arg9[%sub3A_236], %mul3A_244 masked %lt3A_239 : memref<28800xf32, #tpu.memory_space<vmem>>[vector<16xi32>], vector<16xf32>, vector<16xi1>
        %mul3A_245 = arith.constant 12 : i32
        %mul3A_246 = arith.muli %scan3A_66, %mul3A_245 : i32
        %add3A_247 = arith.constant 10 : i32
        %add3A_248 = arith.addi %mul3A_246, %add3A_247 : i32
        %mul3A_249 = arith.constant 16 : i32
        %mul3A_250 = arith.muli %add3A_248, %mul3A_249 : i32
        %get3A_251 = arith.index_cast %mul3A_250 : i32 to index
        %get3A_252 = tpu.vector_load %arg5[%get3A_251] {strides = array<i32>} : memref<19200xi32, #tpu.memory_space<vmem>>, vector<16xi32>,
        %sub3A_253 = vector.broadcast %mul3A_2 : i32 to vector<16xi32>
        %sub3A_254 = arith.subi %get3A_252, %sub3A_253 : vector<16xi32>
        %lt3A_255 = arith.constant 28800 : i32
        %lt3A_256 = vector.broadcast %lt3A_255 : i32 to vector<16xi32>
        %lt3A_257 = arith.cmpi ult, %sub3A_254, %lt3A_256 : vector<16xi32>
        %get3A_258 = arith.index_cast %mul3A_250 : i32 to index
        %get3A_259 = tpu.vector_load %arg6[%get3A_258] {strides = array<i32>} : memref<19200xf32, #tpu.memory_space<vmem>>, vector<16xf32>,
        %mul3A_260 = arith.constant 1.000000e+03 : f32
        %mul3A_261 = vector.broadcast %mul3A_260 : f32 to vector<16xf32>
        %mul3A_262 = arith.mulf %get3A_259, %mul3A_261 : vector<16xf32>
        tpu.vector_store_idx %arg9[%sub3A_254], %mul3A_262 masked %lt3A_257 : memref<28800xf32, #tpu.memory_space<vmem>>[vector<16xi32>], vector<16xf32>, vector<16xi1>
        %mul3A_263 = arith.constant 12 : i32
        %mul3A_264 = arith.muli %scan3A_66, %mul3A_263 : i32
        %add3A_265 = arith.constant 11 : i32
        %add3A_266 = arith.addi %mul3A_264, %add3A_265 : i32
        %mul3A_267 = arith.constant 16 : i32
        %mul3A_268 = arith.muli %add3A_266, %mul3A_267 : i32
        %get3A_269 = arith.index_cast %mul3A_268 : i32 to index
        %get3A_270 = tpu.vector_load %arg5[%get3A_269] {strides = array<i32>} : memref<19200xi32, #tpu.memory_space<vmem>>, vector<16xi32>,
        %sub3A_271 = vector.broadcast %mul3A_2 : i32 to vector<16xi32>
        %sub3A_272 = arith.subi %get3A_270, %sub3A_271 : vector<16xi32>
        %lt3A_273 = arith.constant 28800 : i32
        %lt3A_274 = vector.broadcast %lt3A_273 : i32 to vector<16xi32>
        %lt3A_275 = arith.cmpi ult, %sub3A_272, %lt3A_274 : vector<16xi32>
        %get3A_276 = arith.index_cast %mul3A_268 : i32 to index
        %get3A_277 = tpu.vector_load %arg6[%get3A_276] {strides = array<i32>} : memref<19200xf32, #tpu.memory_space<vmem>>, vector<16xf32>,
        %mul3A_278 = arith.constant 1.000000e+03 : f32
        %mul3A_279 = vector.broadcast %mul3A_278 : f32 to vector<16xf32>
        %mul3A_280 = arith.mulf %get3A_277, %mul3A_279 : vector<16xf32>
        tpu.vector_store_idx %arg9[%sub3A_272], %mul3A_280 masked %lt3A_275 : memref<28800xf32, #tpu.memory_space<vmem>>[vector<16xi32>], vector<16xf32>, vector<16xi1>
      }
      %scan3A_47 = arith.constant 100 : i32
      %add3A_48 = arith.constant 1 : i32
      %add3A_49 = arith.addi %mul3A_24, %add3A_48 : i32
      %mul3A_50 = arith.constant 19200 : i32
      %mul3A_51 = arith.muli %add3A_49, %mul3A_50 : i32
      %dma_wait3A_52 = tpu.memref_slice %arg2[%mul3A_51] : memref<921600xi32, #tpu.memory_space<hbm>> -> memref<19200xi32, #tpu.memory_space<hbm>>
      %dma_wait3A_53 = tpu.memref_slice %arg2[%mul3A_51] : memref<921600xi32, #tpu.memory_space<hbm>> -> memref<19200xi32, #tpu.memory_space<hbm>>
      tpu.wait_dma2 semaphore(%arg11 : memref<!tpu.dma_semaphore, #tpu.memory_space<semaphore_mem>>) src(%dma_wait3A_53 : memref<19200xi32, #tpu.memory_space<hbm>>) dst(%arg7 : memref<19200xi32, #tpu.memory_space<vmem>>)
      %mul3A_54 = arith.constant 19200 : i32
      %mul3A_55 = arith.muli %add3A_49, %mul3A_54 : i32
      %dma_wait3A_56 = tpu.memref_slice %arg3[%mul3A_55] : memref<921600xf32, #tpu.memory_space<hbm>> -> memref<19200xf32, #tpu.memory_space<hbm>>
      %dma_wait3A_57 = tpu.memref_slice %arg3[%mul3A_55] : memref<921600xf32, #tpu.memory_space<hbm>> -> memref<19200xf32, #tpu.memory_space<hbm>>
      tpu.wait_dma2 semaphore(%arg11 : memref<!tpu.dma_semaphore, #tpu.memory_space<semaphore_mem>>) src(%dma_wait3A_57 : memref<19200xf32, #tpu.memory_space<hbm>>) dst(%arg8 : memref<19200xf32, #tpu.memory_space<vmem>>)
      %lt3A = arith.constant 23 : i32
      %lt3A_58 = arith.cmpi slt, %scan3A_22, %lt3A : i32
      %convert_element_type3A = arith.extui %lt3A_58 : i1 to i32
      %cond3A = arith.constant 0 : i32
      %cond3A_59 = arith.cmpi ne, %convert_element_type3A, %cond3A : i32
      scf.if %cond3A_59 {
        %add3A_66 = arith.constant 2 : i32
        %add3A_67 = arith.addi %mul3A_24, %add3A_66 : i32
        %mul3A_68 = arith.constant 19200 : i32
        %mul3A_69 = arith.muli %add3A_67, %mul3A_68 : i32
        %dma_start3A_70 = tpu.memref_slice %arg2[%mul3A_69] : memref<921600xi32, #tpu.memory_space<hbm>> -> memref<19200xi32, #tpu.memory_space<hbm>>
        %dma_start3A_71 = tpu.memref_slice %arg2[%mul3A_69] : memref<921600xi32, #tpu.memory_space<hbm>> -> memref<19200xi32, #tpu.memory_space<hbm>>
        tpu.enqueue_dma source(%dma_start3A_71 : memref<19200xi32, #tpu.memory_space<hbm>>) target(%arg5 : memref<19200xi32, #tpu.memory_space<vmem>>) target_semaphore(%arg10 : memref<!tpu.dma_semaphore, #tpu.memory_space<semaphore_mem>>)
        %mul3A_72 = arith.constant 19200 : i32
        %mul3A_73 = arith.muli %add3A_67, %mul3A_72 : i32
        %dma_start3A_74 = tpu.memref_slice %arg3[%mul3A_73] : memref<921600xf32, #tpu.memory_space<hbm>> -> memref<19200xf32, #tpu.memory_space<hbm>>
        %dma_start3A_75 = tpu.memref_slice %arg3[%mul3A_73] : memref<921600xf32, #tpu.memory_space<hbm>> -> memref<19200xf32, #tpu.memory_space<hbm>>
        tpu.enqueue_dma source(%dma_start3A_75 : memref<19200xf32, #tpu.memory_space<hbm>>) target(%arg6 : memref<19200xf32, #tpu.memory_space<vmem>>) target_semaphore(%arg10 : memref<!tpu.dma_semaphore, #tpu.memory_space<semaphore_mem>>)
      } else {
      }
      %scan3A_60 = arith.constant 0 : i32
      %scan3A_61 = arith.constant 0 : i32
      %scan3A_62 = arith.constant 100 : i32
      %scan3A_63 = arith.addi %scan3A_61, %scan3A_62 : i32
      %scan3A_64 = arith.constant 1 : i32
      scf.for %scan3A_66 = %scan3A_61 to %scan3A_63 step %scan3A_64  : i32 {
        %mul3A_67 = arith.constant 12 : i32
        %mul3A_68 = arith.muli %scan3A_66, %mul3A_67 : i32
        %add3A_69 = arith.constant 0 : i32
        %add3A_70 = arith.addi %mul3A_68, %add3A_69 : i32
        %mul3A_71 = arith.constant 16 : i32
        %mul3A_72 = arith.muli %add3A_70, %mul3A_71 : i32
        %get3A = arith.index_cast %mul3A_72 : i32 to index
        %get3A_73 = tpu.vector_load %arg7[%get3A] {strides = array<i32>} : memref<19200xi32, #tpu.memory_space<vmem>>, vector<16xi32>,
        %sub3A = vector.broadcast %mul3A_2 : i32 to vector<16xi32>
        %sub3A_74 = arith.subi %get3A_73, %sub3A : vector<16xi32>
        %lt3A_75 = arith.constant 28800 : i32
        %lt3A_76 = vector.broadcast %lt3A_75 : i32 to vector<16xi32>
        %lt3A_77 = arith.cmpi ult, %sub3A_74, %lt3A_76 : vector<16xi32>
        %get3A_78 = arith.index_cast %mul3A_72 : i32 to index
        %get3A_79 = tpu.vector_load %arg8[%get3A_78] {strides = array<i32>} : memref<19200xf32, #tpu.memory_space<vmem>>, vector<16xf32>,
        %mul3A_80 = arith.constant 1.000000e+03 : f32
        %mul3A_81 = vector.broadcast %mul3A_80 : f32 to vector<16xf32>
        %mul3A_82 = arith.mulf %get3A_79, %mul3A_81 : vector<16xf32>
        tpu.vector_store_idx %arg9[%sub3A_74], %mul3A_82 masked %lt3A_77 : memref<28800xf32, #tpu.memory_space<vmem>>[vector<16xi32>], vector<16xf32>, vector<16xi1>
        %mul3A_83 = arith.constant 12 : i32
        %mul3A_84 = arith.muli %scan3A_66, %mul3A_83 : i32
        %add3A_85 = arith.constant 1 : i32
        %add3A_86 = arith.addi %mul3A_84, %add3A_85 : i32
        %mul3A_87 = arith.constant 16 : i32
        %mul3A_88 = arith.muli %add3A_86, %mul3A_87 : i32
        %get3A_89 = arith.index_cast %mul3A_88 : i32 to index
        %get3A_90 = tpu.vector_load %arg7[%get3A_89] {strides = array<i32>} : memref<19200xi32, #tpu.memory_space<vmem>>, vector<16xi32>,
        %sub3A_91 = vector.broadcast %mul3A_2 : i32 to vector<16xi32>
        %sub3A_92 = arith.subi %get3A_90, %sub3A_91 : vector<16xi32>
        %lt3A_93 = arith.constant 28800 : i32
        %lt3A_94 = vector.broadcast %lt3A_93 : i32 to vector<16xi32>
        %lt3A_95 = arith.cmpi ult, %sub3A_92, %lt3A_94 : vector<16xi32>
        %get3A_96 = arith.index_cast %mul3A_88 : i32 to index
        %get3A_97 = tpu.vector_load %arg8[%get3A_96] {strides = array<i32>} : memref<19200xf32, #tpu.memory_space<vmem>>, vector<16xf32>,
        %mul3A_98 = arith.constant 1.000000e+03 : f32
        %mul3A_99 = vector.broadcast %mul3A_98 : f32 to vector<16xf32>
        %mul3A_100 = arith.mulf %get3A_97, %mul3A_99 : vector<16xf32>
        tpu.vector_store_idx %arg9[%sub3A_92], %mul3A_100 masked %lt3A_95 : memref<28800xf32, #tpu.memory_space<vmem>>[vector<16xi32>], vector<16xf32>, vector<16xi1>
        %mul3A_101 = arith.constant 12 : i32
        %mul3A_102 = arith.muli %scan3A_66, %mul3A_101 : i32
        %add3A_103 = arith.constant 2 : i32
        %add3A_104 = arith.addi %mul3A_102, %add3A_103 : i32
        %mul3A_105 = arith.constant 16 : i32
        %mul3A_106 = arith.muli %add3A_104, %mul3A_105 : i32
        %get3A_107 = arith.index_cast %mul3A_106 : i32 to index
        %get3A_108 = tpu.vector_load %arg7[%get3A_107] {strides = array<i32>} : memref<19200xi32, #tpu.memory_space<vmem>>, vector<16xi32>,
        %sub3A_109 = vector.broadcast %mul3A_2 : i32 to vector<16xi32>
        %sub3A_110 = arith.subi %get3A_108, %sub3A_109 : vector<16xi32>
        %lt3A_111 = arith.constant 28800 : i32
        %lt3A_112 = vector.broadcast %lt3A_111 : i32 to vector<16xi32>
        %lt3A_113 = arith.cmpi ult, %sub3A_110, %lt3A_112 : vector<16xi32>
        %get3A_114 = arith.index_cast %mul3A_106 : i32 to index
        %get3A_115 = tpu.vector_load %arg8[%get3A_114] {strides = array<i32>} : memref<19200xf32, #tpu.memory_space<vmem>>, vector<16xf32>,
        %mul3A_116 = arith.constant 1.000000e+03 : f32
        %mul3A_117 = vector.broadcast %mul3A_116 : f32 to vector<16xf32>
        %mul3A_118 = arith.mulf %get3A_115, %mul3A_117 : vector<16xf32>
        tpu.vector_store_idx %arg9[%sub3A_110], %mul3A_118 masked %lt3A_113 : memref<28800xf32, #tpu.memory_space<vmem>>[vector<16xi32>], vector<16xf32>, vector<16xi1>
        %mul3A_119 = arith.constant 12 : i32
        %mul3A_120 = arith.muli %scan3A_66, %mul3A_119 : i32
        %add3A_121 = arith.constant 3 : i32
        %add3A_122 = arith.addi %mul3A_120, %add3A_121 : i32
        %mul3A_123 = arith.constant 16 : i32
        %mul3A_124 = arith.muli %add3A_122, %mul3A_123 : i32
        %get3A_125 = arith.index_cast %mul3A_124 : i32 to index
        %get3A_126 = tpu.vector_load %arg7[%get3A_125] {strides = array<i32>} : memref<19200xi32, #tpu.memory_space<vmem>>, vector<16xi32>,
        %sub3A_127 = vector.broadcast %mul3A_2 : i32 to vector<16xi32>
        %sub3A_128 = arith.subi %get3A_126, %sub3A_127 : vector<16xi32>
        %lt3A_129 = arith.constant 28800 : i32
        %lt3A_130 = vector.broadcast %lt3A_129 : i32 to vector<16xi32>
        %lt3A_131 = arith.cmpi ult, %sub3A_128, %lt3A_130 : vector<16xi32>
        %get3A_132 = arith.index_cast %mul3A_124 : i32 to index
        %get3A_133 = tpu.vector_load %arg8[%get3A_132] {strides = array<i32>} : memref<19200xf32, #tpu.memory_space<vmem>>, vector<16xf32>,
        %mul3A_134 = arith.constant 1.000000e+03 : f32
        %mul3A_135 = vector.broadcast %mul3A_134 : f32 to vector<16xf32>
        %mul3A_136 = arith.mulf %get3A_133, %mul3A_135 : vector<16xf32>
        tpu.vector_store_idx %arg9[%sub3A_128], %mul3A_136 masked %lt3A_131 : memref<28800xf32, #tpu.memory_space<vmem>>[vector<16xi32>], vector<16xf32>, vector<16xi1>
        %mul3A_137 = arith.constant 12 : i32
        %mul3A_138 = arith.muli %scan3A_66, %mul3A_137 : i32
        %add3A_139 = arith.constant 4 : i32
        %add3A_140 = arith.addi %mul3A_138, %add3A_139 : i32
        %mul3A_141 = arith.constant 16 : i32
        %mul3A_142 = arith.muli %add3A_140, %mul3A_141 : i32
        %get3A_143 = arith.index_cast %mul3A_142 : i32 to index
        %get3A_144 = tpu.vector_load %arg7[%get3A_143] {strides = array<i32>} : memref<19200xi32, #tpu.memory_space<vmem>>, vector<16xi32>,
        %sub3A_145 = vector.broadcast %mul3A_2 : i32 to vector<16xi32>
        %sub3A_146 = arith.subi %get3A_144, %sub3A_145 : vector<16xi32>
        %lt3A_147 = arith.constant 28800 : i32
        %lt3A_148 = vector.broadcast %lt3A_147 : i32 to vector<16xi32>
        %lt3A_149 = arith.cmpi ult, %sub3A_146, %lt3A_148 : vector<16xi32>
        %get3A_150 = arith.index_cast %mul3A_142 : i32 to index
        %get3A_151 = tpu.vector_load %arg8[%get3A_150] {strides = array<i32>} : memref<19200xf32, #tpu.memory_space<vmem>>, vector<16xf32>,
        %mul3A_152 = arith.constant 1.000000e+03 : f32
        %mul3A_153 = vector.broadcast %mul3A_152 : f32 to vector<16xf32>
        %mul3A_154 = arith.mulf %get3A_151, %mul3A_153 : vector<16xf32>
        tpu.vector_store_idx %arg9[%sub3A_146], %mul3A_154 masked %lt3A_149 : memref<28800xf32, #tpu.memory_space<vmem>>[vector<16xi32>], vector<16xf32>, vector<16xi1>
        %mul3A_155 = arith.constant 12 : i32
        %mul3A_156 = arith.muli %scan3A_66, %mul3A_155 : i32
        %add3A_157 = arith.constant 5 : i32
        %add3A_158 = arith.addi %mul3A_156, %add3A_157 : i32
        %mul3A_159 = arith.constant 16 : i32
        %mul3A_160 = arith.muli %add3A_158, %mul3A_159 : i32
        %get3A_161 = arith.index_cast %mul3A_160 : i32 to index
        %get3A_162 = tpu.vector_load %arg7[%get3A_161] {strides = array<i32>} : memref<19200xi32, #tpu.memory_space<vmem>>, vector<16xi32>,
        %sub3A_163 = vector.broadcast %mul3A_2 : i32 to vector<16xi32>
        %sub3A_164 = arith.subi %get3A_162, %sub3A_163 : vector<16xi32>
        %lt3A_165 = arith.constant 28800 : i32
        %lt3A_166 = vector.broadcast %lt3A_165 : i32 to vector<16xi32>
        %lt3A_167 = arith.cmpi ult, %sub3A_164, %lt3A_166 : vector<16xi32>
        %get3A_168 = arith.index_cast %mul3A_160 : i32 to index
        %get3A_169 = tpu.vector_load %arg8[%get3A_168] {strides = array<i32>} : memref<19200xf32, #tpu.memory_space<vmem>>, vector<16xf32>,
        %mul3A_170 = arith.constant 1.000000e+03 : f32
        %mul3A_171 = vector.broadcast %mul3A_170 : f32 to vector<16xf32>
        %mul3A_172 = arith.mulf %get3A_169, %mul3A_171 : vector<16xf32>
        tpu.vector_store_idx %arg9[%sub3A_164], %mul3A_172 masked %lt3A_167 : memref<28800xf32, #tpu.memory_space<vmem>>[vector<16xi32>], vector<16xf32>, vector<16xi1>
        %mul3A_173 = arith.constant 12 : i32
        %mul3A_174 = arith.muli %scan3A_66, %mul3A_173 : i32
        %add3A_175 = arith.constant 6 : i32
        %add3A_176 = arith.addi %mul3A_174, %add3A_175 : i32
        %mul3A_177 = arith.constant 16 : i32
        %mul3A_178 = arith.muli %add3A_176, %mul3A_177 : i32
        %get3A_179 = arith.index_cast %mul3A_178 : i32 to index
        %get3A_180 = tpu.vector_load %arg7[%get3A_179] {strides = array<i32>} : memref<19200xi32, #tpu.memory_space<vmem>>, vector<16xi32>,
        %sub3A_181 = vector.broadcast %mul3A_2 : i32 to vector<16xi32>
        %sub3A_182 = arith.subi %get3A_180, %sub3A_181 : vector<16xi32>
        %lt3A_183 = arith.constant 28800 : i32
        %lt3A_184 = vector.broadcast %lt3A_183 : i32 to vector<16xi32>
        %lt3A_185 = arith.cmpi ult, %sub3A_182, %lt3A_184 : vector<16xi32>
        %get3A_186 = arith.index_cast %mul3A_178 : i32 to index
        %get3A_187 = tpu.vector_load %arg8[%get3A_186] {strides = array<i32>} : memref<19200xf32, #tpu.memory_space<vmem>>, vector<16xf32>,
        %mul3A_188 = arith.constant 1.000000e+03 : f32
        %mul3A_189 = vector.broadcast %mul3A_188 : f32 to vector<16xf32>
        %mul3A_190 = arith.mulf %get3A_187, %mul3A_189 : vector<16xf32>
        tpu.vector_store_idx %arg9[%sub3A_182], %mul3A_190 masked %lt3A_185 : memref<28800xf32, #tpu.memory_space<vmem>>[vector<16xi32>], vector<16xf32>, vector<16xi1>
        %mul3A_191 = arith.constant 12 : i32
        %mul3A_192 = arith.muli %scan3A_66, %mul3A_191 : i32
        %add3A_193 = arith.constant 7 : i32
        %add3A_194 = arith.addi %mul3A_192, %add3A_193 : i32
        %mul3A_195 = arith.constant 16 : i32
        %mul3A_196 = arith.muli %add3A_194, %mul3A_195 : i32
        %get3A_197 = arith.index_cast %mul3A_196 : i32 to index
        %get3A_198 = tpu.vector_load %arg7[%get3A_197] {strides = array<i32>} : memref<19200xi32, #tpu.memory_space<vmem>>, vector<16xi32>,
        %sub3A_199 = vector.broadcast %mul3A_2 : i32 to vector<16xi32>
        %sub3A_200 = arith.subi %get3A_198, %sub3A_199 : vector<16xi32>
        %lt3A_201 = arith.constant 28800 : i32
        %lt3A_202 = vector.broadcast %lt3A_201 : i32 to vector<16xi32>
        %lt3A_203 = arith.cmpi ult, %sub3A_200, %lt3A_202 : vector<16xi32>
        %get3A_204 = arith.index_cast %mul3A_196 : i32 to index
        %get3A_205 = tpu.vector_load %arg8[%get3A_204] {strides = array<i32>} : memref<19200xf32, #tpu.memory_space<vmem>>, vector<16xf32>,
        %mul3A_206 = arith.constant 1.000000e+03 : f32
        %mul3A_207 = vector.broadcast %mul3A_206 : f32 to vector<16xf32>
        %mul3A_208 = arith.mulf %get3A_205, %mul3A_207 : vector<16xf32>
        tpu.vector_store_idx %arg9[%sub3A_200], %mul3A_208 masked %lt3A_203 : memref<28800xf32, #tpu.memory_space<vmem>>[vector<16xi32>], vector<16xf32>, vector<16xi1>
        %mul3A_209 = arith.constant 12 : i32
        %mul3A_210 = arith.muli %scan3A_66, %mul3A_209 : i32
        %add3A_211 = arith.constant 8 : i32
        %add3A_212 = arith.addi %mul3A_210, %add3A_211 : i32
        %mul3A_213 = arith.constant 16 : i32
        %mul3A_214 = arith.muli %add3A_212, %mul3A_213 : i32
        %get3A_215 = arith.index_cast %mul3A_214 : i32 to index
        %get3A_216 = tpu.vector_load %arg7[%get3A_215] {strides = array<i32>} : memref<19200xi32, #tpu.memory_space<vmem>>, vector<16xi32>,
        %sub3A_217 = vector.broadcast %mul3A_2 : i32 to vector<16xi32>
        %sub3A_218 = arith.subi %get3A_216, %sub3A_217 : vector<16xi32>
        %lt3A_219 = arith.constant 28800 : i32
        %lt3A_220 = vector.broadcast %lt3A_219 : i32 to vector<16xi32>
        %lt3A_221 = arith.cmpi ult, %sub3A_218, %lt3A_220 : vector<16xi32>
        %get3A_222 = arith.index_cast %mul3A_214 : i32 to index
        %get3A_223 = tpu.vector_load %arg8[%get3A_222] {strides = array<i32>} : memref<19200xf32, #tpu.memory_space<vmem>>, vector<16xf32>,
        %mul3A_224 = arith.constant 1.000000e+03 : f32
        %mul3A_225 = vector.broadcast %mul3A_224 : f32 to vector<16xf32>
        %mul3A_226 = arith.mulf %get3A_223, %mul3A_225 : vector<16xf32>
        tpu.vector_store_idx %arg9[%sub3A_218], %mul3A_226 masked %lt3A_221 : memref<28800xf32, #tpu.memory_space<vmem>>[vector<16xi32>], vector<16xf32>, vector<16xi1>
        %mul3A_227 = arith.constant 12 : i32
        %mul3A_228 = arith.muli %scan3A_66, %mul3A_227 : i32
        %add3A_229 = arith.constant 9 : i32
        %add3A_230 = arith.addi %mul3A_228, %add3A_229 : i32
        %mul3A_231 = arith.constant 16 : i32
        %mul3A_232 = arith.muli %add3A_230, %mul3A_231 : i32
        %get3A_233 = arith.index_cast %mul3A_232 : i32 to index
        %get3A_234 = tpu.vector_load %arg7[%get3A_233] {strides = array<i32>} : memref<19200xi32, #tpu.memory_space<vmem>>, vector<16xi32>,
        %sub3A_235 = vector.broadcast %mul3A_2 : i32 to vector<16xi32>
        %sub3A_236 = arith.subi %get3A_234, %sub3A_235 : vector<16xi32>
        %lt3A_237 = arith.constant 28800 : i32
        %lt3A_238 = vector.broadcast %lt3A_237 : i32 to vector<16xi32>
        %lt3A_239 = arith.cmpi ult, %sub3A_236, %lt3A_238 : vector<16xi32>
        %get3A_240 = arith.index_cast %mul3A_232 : i32 to index
        %get3A_241 = tpu.vector_load %arg8[%get3A_240] {strides = array<i32>} : memref<19200xf32, #tpu.memory_space<vmem>>, vector<16xf32>,
        %mul3A_242 = arith.constant 1.000000e+03 : f32
        %mul3A_243 = vector.broadcast %mul3A_242 : f32 to vector<16xf32>
        %mul3A_244 = arith.mulf %get3A_241, %mul3A_243 : vector<16xf32>
        tpu.vector_store_idx %arg9[%sub3A_236], %mul3A_244 masked %lt3A_239 : memref<28800xf32, #tpu.memory_space<vmem>>[vector<16xi32>], vector<16xf32>, vector<16xi1>
        %mul3A_245 = arith.constant 12 : i32
        %mul3A_246 = arith.muli %scan3A_66, %mul3A_245 : i32
        %add3A_247 = arith.constant 10 : i32
        %add3A_248 = arith.addi %mul3A_246, %add3A_247 : i32
        %mul3A_249 = arith.constant 16 : i32
        %mul3A_250 = arith.muli %add3A_248, %mul3A_249 : i32
        %get3A_251 = arith.index_cast %mul3A_250 : i32 to index
        %get3A_252 = tpu.vector_load %arg7[%get3A_251] {strides = array<i32>} : memref<19200xi32, #tpu.memory_space<vmem>>, vector<16xi32>,
        %sub3A_253 = vector.broadcast %mul3A_2 : i32 to vector<16xi32>
        %sub3A_254 = arith.subi %get3A_252, %sub3A_253 : vector<16xi32>
        %lt3A_255 = arith.constant 28800 : i32
        %lt3A_256 = vector.broadcast %lt3A_255 : i32 to vector<16xi32>
        %lt3A_257 = arith.cmpi ult, %sub3A_254, %lt3A_256 : vector<16xi32>
        %get3A_258 = arith.index_cast %mul3A_250 : i32 to index
        %get3A_259 = tpu.vector_load %arg8[%get3A_258] {strides = array<i32>} : memref<19200xf32, #tpu.memory_space<vmem>>, vector<16xf32>,
        %mul3A_260 = arith.constant 1.000000e+03 : f32
        %mul3A_261 = vector.broadcast %mul3A_260 : f32 to vector<16xf32>
        %mul3A_262 = arith.mulf %get3A_259, %mul3A_261 : vector<16xf32>
        tpu.vector_store_idx %arg9[%sub3A_254], %mul3A_262 masked %lt3A_257 : memref<28800xf32, #tpu.memory_space<vmem>>[vector<16xi32>], vector<16xf32>, vector<16xi1>
        %mul3A_263 = arith.constant 12 : i32
        %mul3A_264 = arith.muli %scan3A_66, %mul3A_263 : i32
        %add3A_265 = arith.constant 11 : i32
        %add3A_266 = arith.addi %mul3A_264, %add3A_265 : i32
        %mul3A_267 = arith.constant 16 : i32
        %mul3A_268 = arith.muli %add3A_266, %mul3A_267 : i32
        %get3A_269 = arith.index_cast %mul3A_268 : i32 to index
        %get3A_270 = tpu.vector_load %arg7[%get3A_269] {strides = array<i32>} : memref<19200xi32, #tpu.memory_space<vmem>>, vector<16xi32>,
        %sub3A_271 = vector.broadcast %mul3A_2 : i32 to vector<16xi32>
        %sub3A_272 = arith.subi %get3A_270, %sub3A_271 : vector<16xi32>
        %lt3A_273 = arith.constant 28800 : i32
        %lt3A_274 = vector.broadcast %lt3A_273 : i32 to vector<16xi32>
        %lt3A_275 = arith.cmpi ult, %sub3A_272, %lt3A_274 : vector<16xi32>
        %get3A_276 = arith.index_cast %mul3A_268 : i32 to index
        %get3A_277 = tpu.vector_load %arg8[%get3A_276] {strides = array<i32>} : memref<19200xf32, #tpu.memory_space<vmem>>, vector<16xf32>,
        %mul3A_278 = arith.constant 1.000000e+03 : f32
        %mul3A_279 = vector.broadcast %mul3A_278 : f32 to vector<16xf32>
        %mul3A_280 = arith.mulf %get3A_277, %mul3A_279 : vector<16xf32>
        tpu.vector_store_idx %arg9[%sub3A_272], %mul3A_280 masked %lt3A_275 : memref<28800xf32, #tpu.memory_space<vmem>>[vector<16xi32>], vector<16xf32>, vector<16xi1>
      }
      %scan3A_65 = arith.constant 100 : i32
    }
    %scan3A_21 = arith.constant 24 : i32
    "tpu.region"() ({
      %run_scoped3A = tpu.sem_alloc : memref<!tpu.dma_semaphore, #tpu.memory_space<semaphore_mem>>
      %dma_start3A_22 = tpu.memref_slice %arg4[%mul3A_2] : memref<921600xf32, #tpu.memory_space<hbm>> -> memref<28800xf32, #tpu.memory_space<hbm>>
      %dma_start3A_23 = tpu.memref_slice %arg4[%mul3A_2] : memref<921600xf32, #tpu.memory_space<hbm>> -> memref<28800xf32, #tpu.memory_space<hbm>>
      tpu.enqueue_dma source(%arg9 : memref<28800xf32, #tpu.memory_space<vmem>>) target(%dma_start3A_23 : memref<28800xf32, #tpu.memory_space<hbm>>) target_semaphore(%run_scoped3A : memref<!tpu.dma_semaphore, #tpu.memory_space<semaphore_mem>>)
      %dma_wait3A = tpu.memref_slice %arg4[%mul3A_2] : memref<921600xf32, #tpu.memory_space<hbm>> -> memref<28800xf32, #tpu.memory_space<hbm>>
      %dma_wait3A_24 = tpu.memref_slice %arg4[%mul3A_2] : memref<921600xf32, #tpu.memory_space<hbm>> -> memref<28800xf32, #tpu.memory_space<hbm>>
      tpu.wait_dma2 semaphore(%run_scoped3A : memref<!tpu.dma_semaphore, #tpu.memory_space<semaphore_mem>>) src(%arg9 : memref<28800xf32, #tpu.memory_space<vmem>>) dst(%dma_wait3A_24 : memref<28800xf32, #tpu.memory_space<hbm>>)
      tpu.yield
    }) : () -> ()
    return
  }
}

module attributes {stable_mosaic.version = 14 : i64} {
  func.func @_project_body(%arg0: i32, %arg1: memref<1x18xf32, #tpu.memory_space<smem>>, %arg2: memref<16x1280xf32, #tpu.memory_space<vmem>>, %arg3: memref<16x1280xi32, #tpu.memory_space<vmem>>) attributes {dimension_semantics = [#tpu.dimension_semantics<arbitrary>], iteration_bounds = array<i64: 45>, scalar_prefetch = 0 : i64, scratch_operands = 0 : i64, tpu.core_type = #tpu.core_type<tc>, window_params = [{transform_indices = @transform_0, window_bounds = array<i64: 1, 18>}, {transform_indices = @transform_1, window_bounds = array<i64: 16, 1280>}, {transform_indices = @transform_2, window_bounds = array<i64: 16, 1280>}]} {
    %get3A = arith.constant 0 : index
    %get3A_0 = arith.constant 0 : index
    %get3A_1 = memref.load %arg1[%get3A, %get3A_0] : memref<1x18xf32, #tpu.memory_space<smem>>
    %get3A_2 = arith.constant 0 : index
    %get3A_3 = arith.constant 1 : index
    %get3A_4 = memref.load %arg1[%get3A_2, %get3A_3] : memref<1x18xf32, #tpu.memory_space<smem>>
    %get3A_5 = arith.constant 0 : index
    %get3A_6 = arith.constant 2 : index
    %get3A_7 = memref.load %arg1[%get3A_5, %get3A_6] : memref<1x18xf32, #tpu.memory_space<smem>>
    %get3A_8 = arith.constant 0 : index
    %get3A_9 = arith.constant 3 : index
    %get3A_10 = memref.load %arg1[%get3A_8, %get3A_9] : memref<1x18xf32, #tpu.memory_space<smem>>
    %get3A_11 = arith.constant 0 : index
    %get3A_12 = arith.constant 4 : index
    %get3A_13 = memref.load %arg1[%get3A_11, %get3A_12] : memref<1x18xf32, #tpu.memory_space<smem>>
    %get3A_14 = arith.constant 0 : index
    %get3A_15 = arith.constant 5 : index
    %get3A_16 = memref.load %arg1[%get3A_14, %get3A_15] : memref<1x18xf32, #tpu.memory_space<smem>>
    %get3A_17 = arith.constant 0 : index
    %get3A_18 = arith.constant 6 : index
    %get3A_19 = memref.load %arg1[%get3A_17, %get3A_18] : memref<1x18xf32, #tpu.memory_space<smem>>
    %get3A_20 = arith.constant 0 : index
    %get3A_21 = arith.constant 7 : index
    %get3A_22 = memref.load %arg1[%get3A_20, %get3A_21] : memref<1x18xf32, #tpu.memory_space<smem>>
    %get3A_23 = arith.constant 0 : index
    %get3A_24 = arith.constant 8 : index
    %get3A_25 = memref.load %arg1[%get3A_23, %get3A_24] : memref<1x18xf32, #tpu.memory_space<smem>>
    %get3A_26 = arith.constant 0 : index
    %get3A_27 = arith.constant 9 : index
    %get3A_28 = memref.load %arg1[%get3A_26, %get3A_27] : memref<1x18xf32, #tpu.memory_space<smem>>
    %get3A_29 = arith.constant 0 : index
    %get3A_30 = arith.constant 10 : index
    %get3A_31 = memref.load %arg1[%get3A_29, %get3A_30] : memref<1x18xf32, #tpu.memory_space<smem>>
    %get3A_32 = arith.constant 0 : index
    %get3A_33 = arith.constant 11 : index
    %get3A_34 = memref.load %arg1[%get3A_32, %get3A_33] : memref<1x18xf32, #tpu.memory_space<smem>>
    %get3A_35 = arith.constant 0 : index
    %get3A_36 = arith.constant 12 : index
    %get3A_37 = memref.load %arg1[%get3A_35, %get3A_36] : memref<1x18xf32, #tpu.memory_space<smem>>
    %get3A_38 = arith.constant 0 : index
    %get3A_39 = arith.constant 13 : index
    %get3A_40 = memref.load %arg1[%get3A_38, %get3A_39] : memref<1x18xf32, #tpu.memory_space<smem>>
    %get3A_41 = arith.constant 0 : index
    %get3A_42 = arith.constant 14 : index
    %get3A_43 = memref.load %arg1[%get3A_41, %get3A_42] : memref<1x18xf32, #tpu.memory_space<smem>>
    %get3A_44 = arith.constant 0 : index
    %get3A_45 = arith.constant 15 : index
    %get3A_46 = memref.load %arg1[%get3A_44, %get3A_45] : memref<1x18xf32, #tpu.memory_space<smem>>
    %get3A_47 = arith.constant 0 : index
    %get3A_48 = arith.constant 16 : index
    %get3A_49 = memref.load %arg1[%get3A_47, %get3A_48] : memref<1x18xf32, #tpu.memory_space<smem>>
    %get3A_50 = arith.constant 0 : index
    %get3A_51 = arith.constant 17 : index
    %get3A_52 = memref.load %arg1[%get3A_50, %get3A_51] : memref<1x18xf32, #tpu.memory_space<smem>>
    %get3A_53 = arith.constant 0 : index
    %get3A_54 = arith.constant 0 : index
    %get3A_55 = vector.load %arg2[%get3A_53, %get3A_54] : memref<16x1280xf32, #tpu.memory_space<vmem>>, vector<16x1280xf32>
    %iota3A = tpu.iota {dimensions = array<i32: 1>} : vector<16x1280xi32>
    %convert_element_type3A = arith.sitofp %iota3A : vector<16x1280xi32> to vector<16x1280xf32>
    %iota3A_56 = tpu.iota {dimensions = array<i32: 0>} : vector<16x1280xi32>
    %mul3A = arith.constant 16 : i32
    %mul3A_57 = arith.muli %arg0, %mul3A : i32
    %add3A = vector.broadcast %mul3A_57 : i32 to vector<16x1280xi32>
    %add3A_58 = arith.addi %iota3A_56, %add3A : vector<16x1280xi32>
    %convert_element_type3A_59 = arith.sitofp %add3A_58 : vector<16x1280xi32> to vector<16x1280xf32>
    %mul3A_60 = arith.constant 1.000000e+03 : f32
    %mul3A_61 = vector.broadcast %mul3A_60 : f32 to vector<16x1280xf32>
    %mul3A_62 = arith.mulf %get3A_55, %mul3A_61 : vector<16x1280xf32>
    %sub3A = vector.broadcast %get3A_7 : f32 to vector<16x1280xf32>
    %sub3A_63 = arith.subf %convert_element_type3A, %sub3A : vector<16x1280xf32>
    %mul3A_64 = arith.mulf %sub3A_63, %get3A_55 : vector<16x1280xf32>
    %div3A = vector.broadcast %get3A_1 : f32 to vector<16x1280xf32>
    %div3A_65 = arith.divf %mul3A_64, %div3A : vector<16x1280xf32>
    %sub3A_66 = vector.broadcast %get3A_10 : f32 to vector<16x1280xf32>
    %sub3A_67 = arith.subf %convert_element_type3A_59, %sub3A_66 : vector<16x1280xf32>
    %mul3A_68 = arith.mulf %sub3A_67, %get3A_55 : vector<16x1280xf32>
    %div3A_69 = vector.broadcast %get3A_4 : f32 to vector<16x1280xf32>
    %div3A_70 = arith.divf %mul3A_68, %div3A_69 : vector<16x1280xf32>
    %mul3A_71 = arith.constant 1.000000e+03 : f32
    %mul3A_72 = vector.broadcast %mul3A_71 : f32 to vector<16x1280xf32>
    %mul3A_73 = arith.mulf %div3A_65, %mul3A_72 : vector<16x1280xf32>
    %bitcast_convert_type3A = tpu.bitcast %mul3A_73 : vector<16x1280xf32> -> vector<16x1280xi32>
    %shift_right_logical3A = arith.constant 16 : i32
    %shift_right_logical3A_74 = vector.broadcast %shift_right_logical3A : i32 to vector<16x1280xi32>
    %shift_right_logical3A_75 = arith.shrui %bitcast_convert_type3A, %shift_right_logical3A_74 : vector<16x1280xi32>
    %and3A = arith.constant 1 : i32
    %and3A_76 = vector.broadcast %and3A : i32 to vector<16x1280xi32>
    %and3A_77 = arith.andi %shift_right_logical3A_75, %and3A_76 : vector<16x1280xi32>
    %add3A_78 = arith.constant 32767 : i32
    %add3A_79 = vector.broadcast %add3A_78 : i32 to vector<16x1280xi32>
    %add3A_80 = arith.addi %bitcast_convert_type3A, %add3A_79 : vector<16x1280xi32>
    %add3A_81 = arith.addi %add3A_80, %and3A_77 : vector<16x1280xi32>
    %and3A_82 = arith.constant -65536 : i32
    %and3A_83 = vector.broadcast %and3A_82 : i32 to vector<16x1280xi32>
    %and3A_84 = arith.andi %add3A_81, %and3A_83 : vector<16x1280xi32>
    %bitcast_convert_type3A_85 = tpu.bitcast %and3A_84 : vector<16x1280xi32> -> vector<16x1280xf32>
    %mul3A_86 = arith.constant 1.000000e+03 : f32
    %mul3A_87 = vector.broadcast %mul3A_86 : f32 to vector<16x1280xf32>
    %mul3A_88 = arith.mulf %div3A_70, %mul3A_87 : vector<16x1280xf32>
    %bitcast_convert_type3A_89 = tpu.bitcast %mul3A_88 : vector<16x1280xf32> -> vector<16x1280xi32>
    %shift_right_logical3A_90 = arith.constant 16 : i32
    %shift_right_logical3A_91 = vector.broadcast %shift_right_logical3A_90 : i32 to vector<16x1280xi32>
    %shift_right_logical3A_92 = arith.shrui %bitcast_convert_type3A_89, %shift_right_logical3A_91 : vector<16x1280xi32>
    %and3A_93 = arith.constant 1 : i32
    %and3A_94 = vector.broadcast %and3A_93 : i32 to vector<16x1280xi32>
    %and3A_95 = arith.andi %shift_right_logical3A_92, %and3A_94 : vector<16x1280xi32>
    %add3A_96 = arith.constant 32767 : i32
    %add3A_97 = vector.broadcast %add3A_96 : i32 to vector<16x1280xi32>
    %add3A_98 = arith.addi %bitcast_convert_type3A_89, %add3A_97 : vector<16x1280xi32>
    %add3A_99 = arith.addi %add3A_98, %and3A_95 : vector<16x1280xi32>
    %and3A_100 = arith.constant -65536 : i32
    %and3A_101 = vector.broadcast %and3A_100 : i32 to vector<16x1280xi32>
    %and3A_102 = arith.andi %add3A_99, %and3A_101 : vector<16x1280xi32>
    %bitcast_convert_type3A_103 = tpu.bitcast %and3A_102 : vector<16x1280xi32> -> vector<16x1280xf32>
    %mul3A_104 = arith.constant 1.000000e+03 : f32
    %mul3A_105 = vector.broadcast %mul3A_104 : f32 to vector<16x1280xf32>
    %mul3A_106 = arith.mulf %get3A_55, %mul3A_105 : vector<16x1280xf32>
    %bitcast_convert_type3A_107 = tpu.bitcast %mul3A_106 : vector<16x1280xf32> -> vector<16x1280xi32>
    %shift_right_logical3A_108 = arith.constant 16 : i32
    %shift_right_logical3A_109 = vector.broadcast %shift_right_logical3A_108 : i32 to vector<16x1280xi32>
    %shift_right_logical3A_110 = arith.shrui %bitcast_convert_type3A_107, %shift_right_logical3A_109 : vector<16x1280xi32>
    %and3A_111 = arith.constant 1 : i32
    %and3A_112 = vector.broadcast %and3A_111 : i32 to vector<16x1280xi32>
    %and3A_113 = arith.andi %shift_right_logical3A_110, %and3A_112 : vector<16x1280xi32>
    %add3A_114 = arith.constant 32767 : i32
    %add3A_115 = vector.broadcast %add3A_114 : i32 to vector<16x1280xi32>
    %add3A_116 = arith.addi %bitcast_convert_type3A_107, %add3A_115 : vector<16x1280xi32>
    %add3A_117 = arith.addi %add3A_116, %and3A_113 : vector<16x1280xi32>
    %and3A_118 = arith.constant -65536 : i32
    %and3A_119 = vector.broadcast %and3A_118 : i32 to vector<16x1280xi32>
    %and3A_120 = arith.andi %add3A_117, %and3A_119 : vector<16x1280xi32>
    %bitcast_convert_type3A_121 = tpu.bitcast %and3A_120 : vector<16x1280xi32> -> vector<16x1280xf32>
    %bitcast_convert_type3A_122 = arith.bitcast %get3A_19 : f32 to i32
    %shift_right_logical3A_123 = arith.constant 16 : i32
    %shift_right_logical3A_124 = arith.shrui %bitcast_convert_type3A_122, %shift_right_logical3A_123 : i32
    %and3A_125 = arith.constant 1 : i32
    %and3A_126 = arith.andi %shift_right_logical3A_124, %and3A_125 : i32
    %add3A_127 = arith.constant 32767 : i32
    %add3A_128 = arith.addi %bitcast_convert_type3A_122, %add3A_127 : i32
    %add3A_129 = arith.addi %add3A_128, %and3A_126 : i32
    %and3A_130 = arith.constant -65536 : i32
    %and3A_131 = arith.andi %add3A_129, %and3A_130 : i32
    %bitcast_convert_type3A_132 = arith.bitcast %and3A_131 : i32 to f32
    %mul3A_133 = vector.broadcast %bitcast_convert_type3A_132 : f32 to vector<16x1280xf32>
    %mul3A_134 = arith.mulf %mul3A_133, %bitcast_convert_type3A_85 : vector<16x1280xf32>
    %bitcast_convert_type3A_135 = arith.bitcast %get3A_22 : f32 to i32
    %shift_right_logical3A_136 = arith.constant 16 : i32
    %shift_right_logical3A_137 = arith.shrui %bitcast_convert_type3A_135, %shift_right_logical3A_136 : i32
    %and3A_138 = arith.constant 1 : i32
    %and3A_139 = arith.andi %shift_right_logical3A_137, %and3A_138 : i32
    %add3A_140 = arith.constant 32767 : i32
    %add3A_141 = arith.addi %bitcast_convert_type3A_135, %add3A_140 : i32
    %add3A_142 = arith.addi %add3A_141, %and3A_139 : i32
    %and3A_143 = arith.constant -65536 : i32
    %and3A_144 = arith.andi %add3A_142, %and3A_143 : i32
    %bitcast_convert_type3A_145 = arith.bitcast %and3A_144 : i32 to f32
    %mul3A_146 = vector.broadcast %bitcast_convert_type3A_145 : f32 to vector<16x1280xf32>
    %mul3A_147 = arith.mulf %mul3A_146, %bitcast_convert_type3A_103 : vector<16x1280xf32>
    %add3A_148 = arith.addf %mul3A_134, %mul3A_147 : vector<16x1280xf32>
    %bitcast_convert_type3A_149 = arith.bitcast %get3A_25 : f32 to i32
    %shift_right_logical3A_150 = arith.constant 16 : i32
    %shift_right_logical3A_151 = arith.shrui %bitcast_convert_type3A_149, %shift_right_logical3A_150 : i32
    %and3A_152 = arith.constant 1 : i32
    %and3A_153 = arith.andi %shift_right_logical3A_151, %and3A_152 : i32
    %add3A_154 = arith.constant 32767 : i32
    %add3A_155 = arith.addi %bitcast_convert_type3A_149, %add3A_154 : i32
    %add3A_156 = arith.addi %add3A_155, %and3A_153 : i32
    %and3A_157 = arith.constant -65536 : i32
    %and3A_158 = arith.andi %add3A_156, %and3A_157 : i32
    %bitcast_convert_type3A_159 = arith.bitcast %and3A_158 : i32 to f32
    %mul3A_160 = vector.broadcast %bitcast_convert_type3A_159 : f32 to vector<16x1280xf32>
    %mul3A_161 = arith.mulf %mul3A_160, %bitcast_convert_type3A_121 : vector<16x1280xf32>
    %add3A_162 = arith.addf %add3A_148, %mul3A_161 : vector<16x1280xf32>
    %add3A_163 = vector.broadcast %get3A_46 : f32 to vector<16x1280xf32>
    %add3A_164 = arith.addf %add3A_162, %add3A_163 : vector<16x1280xf32>
    %bitcast_convert_type3A_165 = arith.bitcast %get3A_28 : f32 to i32
    %shift_right_logical3A_166 = arith.constant 16 : i32
    %shift_right_logical3A_167 = arith.shrui %bitcast_convert_type3A_165, %shift_right_logical3A_166 : i32
    %and3A_168 = arith.constant 1 : i32
    %and3A_169 = arith.andi %shift_right_logical3A_167, %and3A_168 : i32
    %add3A_170 = arith.constant 32767 : i32
    %add3A_171 = arith.addi %bitcast_convert_type3A_165, %add3A_170 : i32
    %add3A_172 = arith.addi %add3A_171, %and3A_169 : i32
    %and3A_173 = arith.constant -65536 : i32
    %and3A_174 = arith.andi %add3A_172, %and3A_173 : i32
    %bitcast_convert_type3A_175 = arith.bitcast %and3A_174 : i32 to f32
    %mul3A_176 = vector.broadcast %bitcast_convert_type3A_175 : f32 to vector<16x1280xf32>
    %mul3A_177 = arith.mulf %mul3A_176, %bitcast_convert_type3A_85 : vector<16x1280xf32>
    %bitcast_convert_type3A_178 = arith.bitcast %get3A_31 : f32 to i32
    %shift_right_logical3A_179 = arith.constant 16 : i32
    %shift_right_logical3A_180 = arith.shrui %bitcast_convert_type3A_178, %shift_right_logical3A_179 : i32
    %and3A_181 = arith.constant 1 : i32
    %and3A_182 = arith.andi %shift_right_logical3A_180, %and3A_181 : i32
    %add3A_183 = arith.constant 32767 : i32
    %add3A_184 = arith.addi %bitcast_convert_type3A_178, %add3A_183 : i32
    %add3A_185 = arith.addi %add3A_184, %and3A_182 : i32
    %and3A_186 = arith.constant -65536 : i32
    %and3A_187 = arith.andi %add3A_185, %and3A_186 : i32
    %bitcast_convert_type3A_188 = arith.bitcast %and3A_187 : i32 to f32
    %mul3A_189 = vector.broadcast %bitcast_convert_type3A_188 : f32 to vector<16x1280xf32>
    %mul3A_190 = arith.mulf %mul3A_189, %bitcast_convert_type3A_103 : vector<16x1280xf32>
    %add3A_191 = arith.addf %mul3A_177, %mul3A_190 : vector<16x1280xf32>
    %bitcast_convert_type3A_192 = arith.bitcast %get3A_34 : f32 to i32
    %shift_right_logical3A_193 = arith.constant 16 : i32
    %shift_right_logical3A_194 = arith.shrui %bitcast_convert_type3A_192, %shift_right_logical3A_193 : i32
    %and3A_195 = arith.constant 1 : i32
    %and3A_196 = arith.andi %shift_right_logical3A_194, %and3A_195 : i32
    %add3A_197 = arith.constant 32767 : i32
    %add3A_198 = arith.addi %bitcast_convert_type3A_192, %add3A_197 : i32
    %add3A_199 = arith.addi %add3A_198, %and3A_196 : i32
    %and3A_200 = arith.constant -65536 : i32
    %and3A_201 = arith.andi %add3A_199, %and3A_200 : i32
    %bitcast_convert_type3A_202 = arith.bitcast %and3A_201 : i32 to f32
    %mul3A_203 = vector.broadcast %bitcast_convert_type3A_202 : f32 to vector<16x1280xf32>
    %mul3A_204 = arith.mulf %mul3A_203, %bitcast_convert_type3A_121 : vector<16x1280xf32>
    %add3A_205 = arith.addf %add3A_191, %mul3A_204 : vector<16x1280xf32>
    %add3A_206 = vector.broadcast %get3A_49 : f32 to vector<16x1280xf32>
    %add3A_207 = arith.addf %add3A_205, %add3A_206 : vector<16x1280xf32>
    %bitcast_convert_type3A_208 = arith.bitcast %get3A_37 : f32 to i32
    %shift_right_logical3A_209 = arith.constant 16 : i32
    %shift_right_logical3A_210 = arith.shrui %bitcast_convert_type3A_208, %shift_right_logical3A_209 : i32
    %and3A_211 = arith.constant 1 : i32
    %and3A_212 = arith.andi %shift_right_logical3A_210, %and3A_211 : i32
    %add3A_213 = arith.constant 32767 : i32
    %add3A_214 = arith.addi %bitcast_convert_type3A_208, %add3A_213 : i32
    %add3A_215 = arith.addi %add3A_214, %and3A_212 : i32
    %and3A_216 = arith.constant -65536 : i32
    %and3A_217 = arith.andi %add3A_215, %and3A_216 : i32
    %bitcast_convert_type3A_218 = arith.bitcast %and3A_217 : i32 to f32
    %mul3A_219 = vector.broadcast %bitcast_convert_type3A_218 : f32 to vector<16x1280xf32>
    %mul3A_220 = arith.mulf %mul3A_219, %bitcast_convert_type3A_85 : vector<16x1280xf32>
    %bitcast_convert_type3A_221 = arith.bitcast %get3A_40 : f32 to i32
    %shift_right_logical3A_222 = arith.constant 16 : i32
    %shift_right_logical3A_223 = arith.shrui %bitcast_convert_type3A_221, %shift_right_logical3A_222 : i32
    %and3A_224 = arith.constant 1 : i32
    %and3A_225 = arith.andi %shift_right_logical3A_223, %and3A_224 : i32
    %add3A_226 = arith.constant 32767 : i32
    %add3A_227 = arith.addi %bitcast_convert_type3A_221, %add3A_226 : i32
    %add3A_228 = arith.addi %add3A_227, %and3A_225 : i32
    %and3A_229 = arith.constant -65536 : i32
    %and3A_230 = arith.andi %add3A_228, %and3A_229 : i32
    %bitcast_convert_type3A_231 = arith.bitcast %and3A_230 : i32 to f32
    %mul3A_232 = vector.broadcast %bitcast_convert_type3A_231 : f32 to vector<16x1280xf32>
    %mul3A_233 = arith.mulf %mul3A_232, %bitcast_convert_type3A_103 : vector<16x1280xf32>
    %add3A_234 = arith.addf %mul3A_220, %mul3A_233 : vector<16x1280xf32>
    %bitcast_convert_type3A_235 = arith.bitcast %get3A_43 : f32 to i32
    %shift_right_logical3A_236 = arith.constant 16 : i32
    %shift_right_logical3A_237 = arith.shrui %bitcast_convert_type3A_235, %shift_right_logical3A_236 : i32
    %and3A_238 = arith.constant 1 : i32
    %and3A_239 = arith.andi %shift_right_logical3A_237, %and3A_238 : i32
    %add3A_240 = arith.constant 32767 : i32
    %add3A_241 = arith.addi %bitcast_convert_type3A_235, %add3A_240 : i32
    %add3A_242 = arith.addi %add3A_241, %and3A_239 : i32
    %and3A_243 = arith.constant -65536 : i32
    %and3A_244 = arith.andi %add3A_242, %and3A_243 : i32
    %bitcast_convert_type3A_245 = arith.bitcast %and3A_244 : i32 to f32
    %mul3A_246 = vector.broadcast %bitcast_convert_type3A_245 : f32 to vector<16x1280xf32>
    %mul3A_247 = arith.mulf %mul3A_246, %bitcast_convert_type3A_121 : vector<16x1280xf32>
    %add3A_248 = arith.addf %add3A_234, %mul3A_247 : vector<16x1280xf32>
    %add3A_249 = vector.broadcast %get3A_52 : f32 to vector<16x1280xf32>
    %add3A_250 = arith.addf %add3A_248, %add3A_249 : vector<16x1280xf32>
    %div3A_251 = arith.divf %add3A_164, %add3A_250 : vector<16x1280xf32>
    %div3A_252 = arith.divf %add3A_207, %add3A_250 : vector<16x1280xf32>
    %mul3A_253 = vector.broadcast %get3A_1 : f32 to vector<16x1280xf32>
    %mul3A_254 = arith.mulf %div3A_251, %mul3A_253 : vector<16x1280xf32>
    %add3A_255 = vector.broadcast %get3A_7 : f32 to vector<16x1280xf32>
    %add3A_256 = arith.addf %mul3A_254, %add3A_255 : vector<16x1280xf32>
    %add3A_257 = vector.broadcast %get3A_13 : f32 to vector<16x1280xf32>
    %add3A_258 = arith.addf %add3A_256, %add3A_257 : vector<16x1280xf32>
    %mul3A_259 = vector.broadcast %get3A_4 : f32 to vector<16x1280xf32>
    %mul3A_260 = arith.mulf %div3A_252, %mul3A_259 : vector<16x1280xf32>
    %add3A_261 = vector.broadcast %get3A_10 : f32 to vector<16x1280xf32>
    %add3A_262 = arith.addf %mul3A_260, %add3A_261 : vector<16x1280xf32>
    %add3A_263 = vector.broadcast %get3A_16 : f32 to vector<16x1280xf32>
    %add3A_264 = arith.addf %add3A_262, %add3A_263 : vector<16x1280xf32>
    %le3A = arith.constant 0.000000e+00 : f32
    %le3A_265 = vector.broadcast %le3A : f32 to vector<16x1280xf32>
    %le3A_266 = arith.cmpf ole, %add3A_258, %le3A_265 : vector<16x1280xf32>
    %gt3A = arith.constant 1.279500e+03 : f32
    %gt3A_267 = vector.broadcast %gt3A : f32 to vector<16x1280xf32>
    %gt3A_268 = arith.cmpf ogt, %add3A_258, %gt3A_267 : vector<16x1280xf32>
    %or3A = arith.ori %le3A_266, %gt3A_268 : vector<16x1280xi1>
    %jit3A = arith.constant 0.000000e+00 : f32
    %broadcast_in_dim3A = vector.broadcast %jit3A : f32 to vector<16x1280xf32>
    %select_n3A = arith.select %or3A, %broadcast_in_dim3A, %add3A_258 : vector<16x1280xi1>, vector<16x1280xf32>
    %le3A_269 = arith.constant 0.000000e+00 : f32
    %le3A_270 = vector.broadcast %le3A_269 : f32 to vector<16x1280xf32>
    %le3A_271 = arith.cmpf ole, %add3A_264, %le3A_270 : vector<16x1280xf32>
    %gt3A_272 = arith.constant 7.195000e+02 : f32
    %gt3A_273 = vector.broadcast %gt3A_272 : f32 to vector<16x1280xf32>
    %gt3A_274 = arith.cmpf ogt, %add3A_264, %gt3A_273 : vector<16x1280xf32>
    %or3A_275 = arith.ori %le3A_271, %gt3A_274 : vector<16x1280xi1>
    %jit3A_276 = arith.constant 0.000000e+00 : f32
    %broadcast_in_dim3A_277 = vector.broadcast %jit3A_276 : f32 to vector<16x1280xf32>
    %select_n3A_278 = arith.select %or3A_275, %broadcast_in_dim3A_277, %add3A_264 : vector<16x1280xi1>, vector<16x1280xf32>
    %round3A = math.roundeven %select_n3A_278 : vector<16x1280xf32>
    %convert_element_type3A_279 = arith.fptosi %round3A : vector<16x1280xf32> to vector<16x1280xi32>
    %round3A_280 = math.roundeven %select_n3A : vector<16x1280xf32>
    %convert_element_type3A_281 = arith.fptosi %round3A_280 : vector<16x1280xf32> to vector<16x1280xi32>
    %gt3A_282 = arith.constant 0.000000e+00 : f32
    %gt3A_283 = vector.broadcast %gt3A_282 : f32 to vector<16x1280xf32>
    %gt3A_284 = arith.cmpf ogt, %mul3A_62, %gt3A_283 : vector<16x1280xf32>
    %lt3A = arith.constant 720 : i32
    %lt3A_285 = vector.broadcast %lt3A : i32 to vector<16x1280xi32>
    %lt3A_286 = arith.cmpi slt, %convert_element_type3A_279, %lt3A_285 : vector<16x1280xi32>
    %and3A_287 = arith.andi %gt3A_284, %lt3A_286 : vector<16x1280xi1>
    %lt3A_288 = arith.constant 1280 : i32
    %lt3A_289 = vector.broadcast %lt3A_288 : i32 to vector<16x1280xi32>
    %lt3A_290 = arith.cmpi slt, %convert_element_type3A_281, %lt3A_289 : vector<16x1280xi32>
    %and3A_291 = arith.andi %and3A_287, %lt3A_290 : vector<16x1280xi1>
    %mul3A_292 = arith.constant 1280 : i32
    %mul3A_293 = vector.broadcast %mul3A_292 : i32 to vector<16x1280xi32>
    %mul3A_294 = arith.muli %convert_element_type3A_279, %mul3A_293 : vector<16x1280xi32>
    %add3A_295 = arith.addi %mul3A_294, %convert_element_type3A_281 : vector<16x1280xi32>
    %jit3A_296 = arith.constant 921600 : i32
    %broadcast_in_dim3A_297 = vector.broadcast %jit3A_296 : i32 to vector<16x1280xi32>
    %select_n3A_298 = arith.select %and3A_291, %add3A_295, %broadcast_in_dim3A_297 : vector<16x1280xi1>, vector<16x1280xi32>
    %swap3A = arith.constant 0 : index
    %swap3A_299 = arith.constant 0 : index
    %swap3A_300 = vector.load %arg3[%swap3A, %swap3A_299] : memref<16x1280xi32, #tpu.memory_space<vmem>>, vector<16x1280xi32>
    tpu.vector_store %arg3[%swap3A, %swap3A_299], %select_n3A_298 {strides = array<i32>} : memref<16x1280xi32, #tpu.memory_space<vmem>>, vector<16x1280xi32>,
    return
  }
  func.func @transform_0(%arg0: i32) -> (i32, i32) {
    %c0_i32 = arith.constant 0 : i32
    %c0_i32_0 = arith.constant 0 : i32
    %c0_i32_1 = arith.constant 0 : i32
    return %c0_i32, %c0_i32_0 : i32, i32
  }
  func.func @transform_1(%arg0: i32) -> (i32, i32) {
    %c0_i32 = arith.constant 0 : i32
    %c0_i32_0 = arith.constant 0 : i32
    return %arg0, %c0_i32 : i32, i32
  }
  func.func @transform_2(%arg0: i32) -> (i32, i32) {
    %c0_i32 = arith.constant 0 : i32
    %c0_i32_0 = arith.constant 0 : i32
    return %arg0, %c0_i32 : i32, i32
  }
}

</mosaic_0001>

<sc_bundles>
// kernel: kernel.4.cloned.1.call-start
scs
__scs_entry_jumppad:
0x0: {  	(pc) =	sbr.rel $0x88, $3  }
0x1: {  	(tag) =	ssettag $0x0;
	lr =	simm.s32 $0x1  }
0x2: {  	[smem:$0x3F98] =	sst lr;
	_ =	strace $0xD0000000  }
0x3: {  	_ = 	snop  }
0x4: {  	_ = 	snop  }
0x5: {  	_ = 	snop  }
0x6: {  	_ = 	snop  }
0x7: {  	_ = 	snop  }
__scs_overlays_trampoline_lowered:
0x8: {  	[smem:$0x3FA7] =	sst s0  }
0x9: {  	[smem:$0x3FA8] =	sst s1  }
0xa: {  	[smem:$0x3FA9] =	sst s2  }
0xb: {  	[smem:$0x3FAA] =	sst s3  }
0xc: {  	[smem:$0x3FAB] =	sst s4  }
0xd: {  	[smem:$0x3FAC] =	sst s5  }
0xe: {  	[smem:$0x3FAD] =	sst s6  }
0xf: {  	[smem:$0x3FAE] =	sst s7  }
0x10: {  	[smem:$0x3FAF] =	sst s8  }
0x11: {  	[smem:$0x3FB0] =	sst s9;
	s0 =	simm.s32 @!p0 $0x0  }
0x12: {  	s1 =	sld [smem:$0x3F96];
	s0 =	simm.s32 @p0 $0x1  }
0x13: {  	[smem:$0x3FB1] =	sst s0;
	s0 =	simm.s32 @!p1 $0x0  }
0x14: {  	s2 =	sld [smem:$0x3F95];
	s0 =	simm.s32 @p1 $0x1  }
0x15: {  	[smem:$0x3FB2] =	sst s0;
	s0 =	simm.s32 @!p2 $0x0  }
0x16: {  	s3 =	sld [smem:$0x3FDB];
	s0 =	simm.s32 @p2 $0x1  }
0x17: {  	s4 =	simm.s32 $0x1BF5;
	[smem:$0x3FB4] =	sst s0  }
0x18: {  	s0 =	sld [smem:$0x3F97];
	_ =	swait.ge [sflag:s4], $0x0  }
0x19: {  	s7 =	sld [smem:$0x3F98]  }
0x1a: {  	s8 =	sadd.s32 $0xFFFFE003, lr  }
0x1b: {  	s9 =	sadd.s32 $0xFFFFFEF7, lr;
	s5 =	simm.s32 $0xFFFFFFFF;
	p2 =	slt.u32 s8, $0xFFFFF086  }
0x1c: {  	p1 =	slt.u32 s9, $0xF7A;
	s5 =	simm.s32 @!p2 $0x0  }
0x1d: {  	s5 =	simm.s32 @p1 $0x1;
	p0 =	seq.s32 s7, s2  }
0x1e: {  	s7 =	smul.u32 @!p0 $0xF7A, s2;
	p2 =	seq.s32 @!p0 s5, $0x0  }
0x1f: {  	s9 =	smul.u32 $0xF7A, s1;
	s8 =	simm.s32 @!p0 $0x1BF5;
	p2 =	por !p2, p0  }
0x20: {  	[sflag:s8] =	ssyncset.s32 @!p0 $0xFFFFF086;
	s6 =	sadd.s32 @!p0 s3, s7;
	s7 =	simm.s32 @!p0 $0x108  }
0x21: {  	s3 =	sadd.s32 s3, s9;
	s6 =	sadd.s32 @!p0 $0x88, s6;
	s7 =	simm.s32 @p2 $0x1082  }
0x22: {  	[simem:s7], [sflag:s8] =	dma.local @!p0 [hbm:s6], $0xF7A  }
0x23: {  	s9 =	sor.u32 $0xD0000000, s2;
	s6 =	simm.s32 $0x108;
	_ =	swait.ge @!p0 [sflag:s8], $0x0  }
0x24: {  	s3 =	sadd.s32 $0x88, s3;
	s6 =	simm.s32 @!p1 $0x1082;
	[sflag:s4] =	ssyncset.s32 $0xFFFFF086  }
0x25: {  	[simem:s6], [sflag:s4] =	dma.local [hbm:s3], $0xF7A  }
0x26: {  	[smem:$0x3F98] =	sst s1;
	(tag) =	ssettag s2;
	_ =	strace s9  }
0x27: {  	s1 =	sld [smem:$0x3FA8]  }
0x28: {  	s2 =	sld [smem:$0x3FA9]  }
0x29: {  	s4 =	sld [smem:$0x3FAB]  }
0x2a: {  	p0 =	seq.s32 s5, $0x0;
	s5 =	sld [smem:$0x3FAC]  }
0x2b: {  	s6 =	sld [smem:$0x3FAD]  }
0x2c: {  	s7 =	sld [smem:$0x3FAE]  }
0x2d: {  	s3 =	simm.s32 $0x108;
	s8 =	sld [smem:$0x3FAF]  }
0x2e: {  	s3 =	simm.s32 @!p0 $0x1082;
	s9 =	sld [smem:$0x3FB0]  }
0x2f: {  	lr =	sadd.s32 s0, s3;
	s0 =	sld [smem:$0x3FA7]  }
0x30: {  	s3 =	sld [smem:$0x3FAA]  }
0x31: {  	[smem:$0x3FB3] =	sst s10  }
0x32: {  	s10 =	sld [smem:$0x3FB1];
	_ =	sdelay $0x3  }
0x33: {  	p0 =	seq.s32 s10, $0x1;
	s10 =	sld [smem:$0x3FB3];
	_ =	sdelay $0x3  }
0x34: {  	[smem:$0x3FB3] =	sst s10  }
0x35: {  	s10 =	sld [smem:$0x3FB2];
	_ =	sdelay $0x3  }
0x36: {  	p1 =	seq.s32 s10, $0x1;
	s10 =	sld [smem:$0x3FB3];
	_ =	sdelay $0x3  }
0x37: {  	[smem:$0x3FB3] =	sst s10  }
0x38: {  	s10 =	sld [smem:$0x3FB4]  }
0x39: {  	_ = 	snop;
	(pc) =	sbr.ind lr, $3  }
0x3a: {  	_ = 	snop  }
0x3b: {  	_ = 	snop  }
0x3c: {  	p2 =	seq.s32 s10, $0x1;
	s10 =	sld [smem:$0x3FB3]  }
0x3d: {  	_ =	shalt  }
0x3e: {  	_ =	shalt  }
0x3f: {  	_ =	shalt  }
0x40: {  	_ =	shalt  }
0x41: {  	_ =	shalt  }
0x42: {  	_ =	shalt  }
0x43: {  	_ =	shalt  }
0x44: {  	_ =	shalt  }
0x45: {  	_ =	shalt  }
0x46: {  	_ =	shalt  }
0x47: {  	_ =	shalt  }
0x48: {  	_ =	shalt  }
0x49: {  	_ =	shalt  }
0x4a: {  	_ =	shalt  }
0x4b: {  	_ =	shalt  }
0x4c: {  	_ =	shalt  }
0x4d: {  	_ =	shalt  }
0x4e: {  	_ =	shalt  }
0x4f: {  	_ =	shalt  }
0x50: {  	_ =	shalt  }
0x51: {  	_ =	shalt  }
0x52: {  	_ =	shalt  }
0x53: {  	_ =	shalt  }
0x54: {  	_ =	shalt  }
0x55: {  	_ =	shalt  }
0x56: {  	_ =	shalt  }
0x57: {  	_ =	shalt  }
0x58: {  	_ =	shalt  }
0x59: {  	_ =	shalt  }
0x5a: {  	_ =	shalt  }
0x5b: {  	_ =	shalt  }
0x5c: {  	_ =	shalt  }
0x5d: {  	_ =	shalt  }
0x5e: {  	_ =	shalt  }
0x5f: {  	_ =	shalt  }
0x60: {  	_ =	shalt  }
0x61: {  	_ =	shalt  }
0x62: {  	_ =	shalt  }
0x63: {  	_ =	shalt  }
0x64: {  	_ =	shalt  }
0x65: {  	_ =	shalt  }
0x66: {  	_ =	shalt  }
0x67: {  	_ =	shalt  }
0x68: {  	_ =	shalt  }
0x69: {  	_ =	shalt  }
0x6a: {  	_ =	shalt  }
0x6b: {  	_ =	shalt  }
0x6c: {  	_ =	shalt  }
0x6d: {  	_ =	shalt  }
0x6e: {  	_ =	shalt  }
0x6f: {  	_ =	shalt  }
0x70: {  	_ =	shalt  }
0x71: {  	_ =	shalt  }
0x72: {  	_ =	shalt  }
0x73: {  	_ =	shalt  }
0x74: {  	_ =	shalt  }
0x75: {  	_ =	shalt  }
0x76: {  	_ =	shalt  }
0x77: {  	_ =	shalt  }
0x78: {  	_ =	shalt  }
0x79: {  	_ =	shalt  }
0x7a: {  	_ =	shalt  }
0x7b: {  	_ =	shalt  }
0x7c: {  	_ =	shalt  }
0x7d: {  	_ =	shalt  }
0x7e: {  	_ =	shalt  }
0x7f: {  	_ =	shalt  }
0x80: {  	_ =	shalt  }
0x81: {  	_ =	shalt  }
0x82: {  	_ =	shalt  }
0x83: {  	_ =	shalt  }
0x84: {  	_ =	shalt  }
0x85: {  	_ =	shalt  }
0x86: {  	_ =	shalt  }
0x87: {  	_ =	shalt  }
.Lfunc_end0:
.L_simem_size_0:
called_computation_lowered:
.L_overlay_start_0:
0x88: {  	s2 =	sld [smem:$0x3FD9]  }
0x89: {  	s3 =	sld [smem:$0x3FFE];
	_ =	sdelay $0x1  }
0x8a: {  	s1 =	srdreg.scid  }
0x8b: {  	s0 =	sand.u32 $0x1, s1  }
0x8c: {  	s17 =	sshll.u32 s0, $0xA;
	s2 =	sadd.s32 s3, s2  }
0x8d: {  	s2 =	sadd.s32 s2, s17  }
0x8e: {  	[smem:$0x3FBF] =	sst s2  }
0x8f: {  	_ = 	snop  }
0x90: {  	s2 =	sld [smem:$0x3FD0];
	(tm) =	ssettm $0x1  }
0x91: {  	s18 =	sld [smem:$0x3FFB];
	_ =	sdelay $0x3  }
0x92: {  	_ =	strace s18  }
0x93: {  	s3 =	sld [smem:$0x3FFC];
	_ =	sdelay $0x3  }
0x94: {  	_ =	strace s3  }
0x95: {  	s3 =	sld [smem:$0x3FFD];
	_ =	sdelay $0x3  }
0x96: {  	_ =	strace s3  }
0x97: {  	_ =	strace $0x8FFFFFFF  }
0x98: {  	s19 =	sld [smem:$0x3FDB];
	_ =	sdelay $0x1  }
0x99: {  	s4 =	simm.s32 $_scs_section_size  }
0x9a: {  	s5 =	simm.s32 $_size__tile_overlayer_lowered;
	s6 =	simm.s32 $_tile_overlayer_lowered  }
0x9b: {  	s22 =	simm.s32 $0x1BFF;
	s21 =	sshll.u32 s6, $0x1;
	s3 =	sadd.s32 s4, s19  }
0x9c: {  	s7 =	simm.s32 $0x0;
	s20 =	sshll.u32 s5, $0x1;
	s5 =	sadd.s32 s21, s3  }
0x9d: {  	[timem:s7], [sflag:s22] =	dma.local [hbm:s5], s20  }
0x9e: {  	_ =	swait.ge [sflag:s22], s20  }
0x9f: {  	s4 =	ssub.s32 $0x0, s20;
	[sflag:s22] =	ssyncset.done $0x0  }
0xa0: {  	[sflag:s22] =	ssyncadd.s32 s4;
	_ =	sdelay $0x1  }
0xa1: {  	s23 =	simm.s32 $0x1B8B  }
0xa2: {  	_ =	swait.ge [sflag:s23], $0x1  }
0xa3: {  	[sflag:s23] =	ssyncset.done $0x0  }
0xa4: {  	s25 =	simm.s32 $0x1B8E;
	s24 =	sld [smem:$0x3FFE];
	[sflag:s23] =	ssyncadd.s32 $0xFFFFFFFF  }
0xa5: {  	s26 =	simm.s32 $execute0_lowered;
	[smem:$0x3FD2] =	sst s25  }
0xa6: {  	s5 =	sshll.u32 s26, $0x1;
	_ =	strace $0x80000046;
	[dreg:$0x1] =	wrdreg $0xFFFFFFFF  }
0xa7: {  	s28 =	simm.s32 $_size_execute0_lowered;
	s3 =	sadd.s32 s3, s5;
	[dreg:$0x0] =	wrdreg $0x0  }
0xa8: {  	s5 =	sshll.u32 s28, $0x1;
	[dreg:$0x2] =	wrdreg s3  }
0xa9: {  	[dreg:$0x3] =	wrdreg s5  }
0xaa: {  	[dreg:$0x4] =	wrdreg $0xC0  }
0xab: {  	_ =	task [dreg:s7], $0x5FFFF  }
0xac: {  	[dreg:$0x1] =	wrdreg $0xFFFFFFFF  }
0xad: {  	[dreg:$0x0] =	wrdreg $0x60  }
0xae: {  	[dreg:$0x2] =	wrdreg s2  }
0xaf: {  	[dreg:$0x3] =	wrdreg s24  }
0xb0: {  	[dreg:$0x4] =	wrdreg $0x9  }
0xb1: {  	_ =	task.clear_ibuf [dreg:s7], $0x5FFFF;
	_ =	strace $0x90000046  }
0xb2: {  	s29 =	simm.s32 $0x9;
	_ =	strace $0x80000048  }
0xb3: {  	_ =	swait.ge [sflag:s29], $0x1  }
0xb4: {  	[sflag:s29] =	ssyncadd.s32 $0xFFFFFFFF  }
0xb5: {  	_ =	strace $0x90000048  }
0xb6: {  	_ =	sfence  }
0xb7: {  	s30 =	sld [smem:$0x0];
	_ =	sdelay $0x2  }
0xb8: {  	s31 =	sshll.u32 s1, $0xD;
	s1 =	sshrl.u32 s1, $0x2  }
0xb9: {  	s3 =	sand.u32 $0x4000, s31;
	s1 =	sadd.s32 s1, s30  }
0xba: {  	s0 =	sor.u32 s3, s0;
	s1 =	sshll.u32 s1, $0x11  }
0xbb: {  	s0 =	sor.u32 s1, s0  }
0xbc: {  	s0 =	sadd.s32 $0x8F2B, s0  }
0xbd: {  	[sflag:s0] =	ssyncadd.remote.s32 $0x1  }
0xbe: {  	_ =	sfence.sel $0xFFFF  }
0xbf: {  	[dreg:$0x0] =	wrdreg $0xFFFFFFFF;
	(pc) =	sbr.abs _section_cstart, $3  }
0xc0: {  	[dreg:$0x1] =	wrdreg $0xFFFFFFFF  }
0xc1: {  	_ =	task.clear_ibuf [dreg:s7], $0x2FFFF;
	_ =	strace $0x9FFFFFFF  }
0xc2: {  	(tm) =	ssettm $0x7FFFFFFF  }
0xc3: {  	_ =	shalt  }
tec
execute0_lowered:
.L_overlay_start_1:
0x0: {  	(tag) =	ssettag $0x1  }
0x1: {  	s1 =	srdreg.scid;
	s2 =	rddreg [dreg:$0x0]  }
0x2: {  	s0 =	stileid.u32;
	s5 =	rddreg [dreg:$0x1]  }
0x3: {  	s3 =	simm.s32 $0x0;
	s9 =	simm.s32 $0x9600;
	s10 =	simm.s32 $0xE100  }
0x4: {  	s11 =	simm.s32 $0x12C00;
	s4 =	sand.u32 $0x1, s1;
	s31 =	sshll.u32 s0, $0x1  }
0x5: {  	s13 =	simm.s32 $0x3;
	s14 =	simm.s32 $0x0;
	s1 =	sor.u32 s4, s31  }
0x6: {  	[smem:$0x7FF] =	sst s3;
	s7 =	ssub.s32 $0x2, s4;
	s12 =	smul.u32 $0x7080, s1  }
0x7: {  	s4 =	sadd.s32 $0x1200, s5;
	s1 =	rddreg [dreg:$0x2];
	s8 =	sshrl.u32 s7, $0x1  }
0x8: {  	_ =	strace $0x80000047;
	s7 =	ssub.s32 s7, s8;
	s6 =	sshrl.u32 s12, $0x3  }
0x9: {  	s8 =	simm.s32 $0x1;
	v0 =	vmov s12;
	s12 =	simm.s32 $0x2;
	s6 =	sadd.s32 s6, s5  }
0xa: {  	v1 =	vimm.f32 $0.0e+00;
	s5 =	sadd.s32 $0x1D400, s6;
	s6 =	smax.u32 s7, $0x1;
	s7 =	simm.s32 $0x4B00  }
.LBB2_1:
0xb: {  	[tilespmem:s3], [sflag:$0x1] =	stream.linear.gather [hbm4b:s2+s3], $0x4B00, $0x38;
	[tilespmem:$0x19C80] =	vst v63  }
0xc: {  	s15 =	simm.s32 $0x40;
	s16 =	simm.s32 $0x0  }
0xd: {  	[tilespmem:s7], [sflag:$0x1] =	stream.linear.gather [hbm4b:s4+s3], $0x4B00, $0x38;
	[tilespmem:$0x19C80] =	vst v63  }
.LBB2_2:
0xe: {  	p0 =	sne.s32 s15, $0x1C1C0;
	[tilespmem:s16+$0x12C00] =	vst v1;
	s16 =	smov.u32 s15;
	s15 =	sadd.s32 $0x40, s15  }
.Ltmp0:
0xf: {  	(pc) =	sbr.rel @p0 .LBB2_2-.Ltmp0, $2  }
0x10: {  	_ =	sdelay $0x2  }
0x11: {  	s16 =	sshra.s32 s16, $0x2  }
0x12: {  	[tilespmem:s16+$0x12C00] =	vst v1;
	s15 =	simm.s32 $0x0;
	s16 =	simm.s32 $0x0  }
.LBB2_4:
0x13: {  	_ =	swait.ge [sflag:s8], $0x4B00  }
0x14: {  	s17 =	smul.u32 $0x9600, s16;
	[sflag:s8] =	ssyncset.done $0x0  }
0x15: {  	[sflag:s8] =	ssyncadd.s32 $0xFFFFB500  }
0x16: {  	s18 =	sshrl.u32 s17, $0x3;
	_ =	swait.ge [sflag:s8], $0x4B00  }
0x17: {  	s18 =	sadd.s32 $0x960, s18;
	[sflag:s8] =	ssyncset.done $0x0  }
0x18: {  	s19 =	sadd.s32 s2, s18;
	[sflag:s8] =	ssyncadd.s32 $0xFFFFB500  }
0x19: {  	[tilespmem:s9], [sflag:$0x2] =	stream.linear.gather [hbm4b:s19+s15], $0x4B00, $0x38;
	[tilespmem:$0x19C80] =	vst v63  }
0x1a: {  	s18 =	sadd.s32 s4, s18  }
0x1b: {  	[tilespmem:s10], [sflag:$0x2] =	stream.linear.gather [hbm4b:s18+s15], $0x4B00, $0x38;
	[tilespmem:$0x19C80] =	vst v63  }
0x1c: {  	s20 =	simm.s32 $0x0;
	s19 =	simm.s32 $0x4B60;
	s18 =	simm.s32 $0x60  }
.LBB2_5:
0x1d: {  	v2 =	vld [tilespmem:s18+$0xFFFFFFA0];
	_ =	sdelay $0x4  }
0x1e: {  	v4 =	vld [tilespmem:s19+$0xFFFFFFA0];
	v3 =	vsub.s32 v2, v0  }
0x1f: {  	v2 =	vand.u32 $0x7F, v2;
	vm0 =	vlt.u32 v3, $0x7080;
	v3 =	vand.u32 $0xFFFFFF80, v3  }
0x20: {  	v2 =	vor.u32 v2, v3;
	_ =	sdelay $0x2  }
0x21: {  	v3 =	vmul.f32 $1.000000000e+03, v4;
	_ =	sdelay $0x1  }
0x22: {  	[tilespmem:v2+s11+$0x0] =	vst.idx.msk vm0, v3  }
0x23: {  	v2 =	vld [tilespmem:s18+$0xFFFFFFB0];
	_ =	sdelay $0x4  }
0x24: {  	v53 =	vld [tilespmem:s19+$0xFFFFFFB0];
	v3 =	vsub.s32 v2, v0  }
0x25: {  	v2 =	vand.u32 $0x7F, v2;
	vm5 =	vlt.u32 v3, $0x7080;
	v3 =	vand.u32 $0xFFFFFF80, v3  }
0x26: {  	v2 =	vor.u32 v2, v3;
	_ =	sdelay $0x2  }
0x27: {  	v3 =	vmul.f32 $1.000000000e+03, v53;
	_ =	sdelay $0x1  }
0x28: {  	[tilespmem:v2+s11+$0x0] =	vst.idx.msk vm5, v3  }
0x29: {  	v2 =	vld [tilespmem:s18+$0xFFFFFFC0];
	_ =	sdelay $0x4  }
0x2a: {  	v54 =	vld [tilespmem:s19+$0xFFFFFFC0];
	v3 =	vsub.s32 v2, v0  }
0x2b: {  	v2 =	vand.u32 $0x7F, v2;
	vm6 =	vlt.u32 v3, $0x7080;
	v3 =	vand.u32 $0xFFFFFF80, v3  }
0x2c: {  	v2 =	vor.u32 v2, v3;
	_ =	sdelay $0x2  }
0x2d: {  	v3 =	vmul.f32 $1.000000000e+03, v54;
	_ =	sdelay $0x1  }
0x2e: {  	[tilespmem:v2+s11+$0x0] =	vst.idx.msk vm6, v3  }
0x2f: {  	v2 =	vld [tilespmem:s18+$0xFFFFFFD0];
	_ =	sdelay $0x4  }
0x30: {  	v55 =	vld [tilespmem:s19+$0xFFFFFFD0];
	v3 =	vsub.s32 v2, v0  }
0x31: {  	v2 =	vand.u32 $0x7F, v2;
	vm7 =	vlt.u32 v3, $0x7080;
	v3 =	vand.u32 $0xFFFFFF80, v3  }
0x32: {  	v2 =	vor.u32 v2, v3;
	_ =	sdelay $0x2  }
0x33: {  	v3 =	vmul.f32 $1.000000000e+03, v55;
	_ =	sdelay $0x1  }
0x34: {  	[tilespmem:v2+s11+$0x0] =	vst.idx.msk vm7, v3  }
0x35: {  	v2 =	vld [tilespmem:s18+$0xFFFFFFE0];
	_ =	sdelay $0x4  }
0x36: {  	v56 =	vld [tilespmem:s19+$0xFFFFFFE0];
	v3 =	vsub.s32 v2, v0  }
0x37: {  	v2 =	vand.u32 $0x7F, v2;
	vm8 =	vlt.u32 v3, $0x7080;
	v3 =	vand.u32 $0xFFFFFF80, v3  }
0x38: {  	v2 =	vor.u32 v2, v3;
	_ =	sdelay $0x2  }
0x39: {  	v3 =	vmul.f32 $1.000000000e+03, v56;
	_ =	sdelay $0x1  }
0x3a: {  	[tilespmem:v2+s11+$0x0] =	vst.idx.msk vm8, v3  }
0x3b: {  	v2 =	vld [tilespmem:s18+$0xFFFFFFF0];
	_ =	sdelay $0x4  }
0x3c: {  	v57 =	vld [tilespmem:s19+$0xFFFFFFF0];
	v3 =	vsub.s32 v2, v0  }
0x3d: {  	v2 =	vand.u32 $0x7F, v2;
	vm9 =	vlt.u32 v3, $0x7080;
	v3 =	vand.u32 $0xFFFFFF80, v3  }
0x3e: {  	v2 =	vor.u32 v2, v3;
	_ =	sdelay $0x2  }
0x3f: {  	v3 =	vmul.f32 $1.000000000e+03, v57;
	_ =	sdelay $0x1  }
0x40: {  	[tilespmem:v2+s11+$0x0] =	vst.idx.msk vm9, v3  }
0x41: {  	v2 =	vld [tilespmem:s18+$0x0];
	_ =	sdelay $0x4  }
0x42: {  	v58 =	vld [tilespmem:s19+$0x0];
	v3 =	vsub.s32 v2, v0  }
0x43: {  	v2 =	vand.u32 $0x7F, v2;
	vm10 =	vlt.u32 v3, $0x7080;
	v3 =	vand.u32 $0xFFFFFF80, v3  }
0x44: {  	v2 =	vor.u32 v2, v3;
	_ =	sdelay $0x2  }
0x45: {  	v3 =	vmul.f32 $1.000000000e+03, v58;
	_ =	sdelay $0x1  }
0x46: {  	[tilespmem:v2+s11+$0x0] =	vst.idx.msk vm10, v3  }
0x47: {  	v2 =	vld [tilespmem:s18+$0x10];
	_ =	sdelay $0x4  }
0x48: {  	v59 =	vld [tilespmem:s19+$0x10];
	v3 =	vsub.s32 v2, v0  }
0x49: {  	v2 =	vand.u32 $0x7F, v2;
	vm11 =	vlt.u32 v3, $0x7080;
	v3 =	vand.u32 $0xFFFFFF80, v3  }
0x4a: {  	v2 =	vor.u32 v2, v3;
	_ =	sdelay $0x2  }
0x4b: {  	v3 =	vmul.f32 $1.000000000e+03, v59;
	_ =	sdelay $0x1  }
0x4c: {  	s21 =	sand.u32 $0x7FC0, s20;
	[tilespmem:v2+s11+$0x0] =	vst.idx.msk vm11, v3  }
0x4d: {  	v2 =	vld [tilespmem:s21+$0x80];
	_ =	sdelay $0x4  }
0x4e: {  	v60 =	vld [tilespmem:s21+$0x4B80];
	v3 =	vsub.s32 v2, v0  }
0x4f: {  	v2 =	vand.u32 $0x7F, v2;
	vm12 =	vlt.u32 v3, $0x7080;
	v3 =	vand.u32 $0xFFFFFF80, v3  }
0x50: {  	v2 =	vor.u32 v2, v3;
	_ =	sdelay $0x2  }
0x51: {  	v3 =	vmul.f32 $1.000000000e+03, v60;
	_ =	sdelay $0x1  }
0x52: {  	[tilespmem:v2+s11+$0x0] =	vst.idx.msk vm12, v3  }
0x53: {  	v2 =	vld [tilespmem:s18+$0x30];
	_ =	sdelay $0x4  }
0x54: {  	v61 =	vld [tilespmem:s19+$0x30];
	v3 =	vsub.s32 v2, v0  }
0x55: {  	v2 =	vand.u32 $0x7F, v2;
	vm13 =	vlt.u32 v3, $0x7080;
	v3 =	vand.u32 $0xFFFFFF80, v3  }
0x56: {  	v2 =	vor.u32 v2, v3;
	_ =	sdelay $0x2  }
0x57: {  	v3 =	vmul.f32 $1.000000000e+03, v61;
	_ =	sdelay $0x1  }
0x58: {  	[tilespmem:v2+s11+$0x0] =	vst.idx.msk vm13, v3  }
0x59: {  	v2 =	vld [tilespmem:s18+$0x40];
	_ =	sdelay $0x4  }
0x5a: {  	v62 =	vld [tilespmem:s19+$0x40];
	v3 =	vsub.s32 v2, v0  }
0x5b: {  	v2 =	vand.u32 $0x7F, v2;
	vm14 =	vlt.u32 v3, $0x7080;
	v3 =	vand.u32 $0xFFFFFF80, v3  }
0x5c: {  	v2 =	vor.u32 v2, v3;
	_ =	sdelay $0x2  }
0x5d: {  	v3 =	vmul.f32 $1.000000000e+03, v62;
	_ =	sdelay $0x1  }
0x5e: {  	[tilespmem:v2+s11+$0x0] =	vst.idx.msk vm14, v3  }
0x5f: {  	v2 =	vld [tilespmem:s18+$0x50];
	_ =	sdelay $0x4  }
0x60: {  	v63 =	vld [tilespmem:s19+$0x50];
	v3 =	vsub.s32 v2, v0  }
0x61: {  	v2 =	vand.u32 $0x7F, v2;
	vm15 =	vlt.u32 v3, $0x7080;
	v3 =	vand.u32 $0xFFFFFF80, v3  }
0x62: {  	p0 =	sne.s32 s20, $0x4A40;
	v2 =	vor.u32 v2, v3  }
.Ltmp1:
0x63: {  	_ = 	snop;
	(pc) =	sbr.rel @p0 .LBB2_5-.Ltmp1, $3  }
0x64: {  	_ = 	snop  }
0x65: {  	v3 =	vmul.f32 $1.000000000e+03, v63;
	_ =	sdelay $0x1  }
0x66: {  	s20 =	sadd.s32 $0xC0, s20;
	s18 =	sadd.s32 $0xC0, s18;
	s19 =	sadd.s32 $0xC0, s19;
	[tilespmem:v2+s11+$0x0] =	vst.idx.msk vm15, v3  }
0x67: {  	_ =	swait.ge [sflag:s12], $0x4B00  }
0x68: {  	[sflag:s12] =	ssyncset.done $0x0  }
0x69: {  	p0 =	seq.s32 s16, $0x17;
	[sflag:s12] =	ssyncadd.s32 $0xFFFFB500  }
0x6a: {  	s17 =	sshrl.u32 @!p0 s17, $0x3;
	_ =	swait.ge [sflag:s12], $0x4B00  }
0x6b: {  	s17 =	sadd.s32 @!p0 $0x12C0, s17;
	[sflag:s12] =	ssyncset.done $0x0  }
0x6c: {  	s19 =	simm.s32 @!p0 $0x0;
	s18 =	sadd.s32 @!p0 s2, s17;
	[sflag:s12] =	ssyncadd.s32 $0xFFFFB500  }
0x6d: {  	[tilespmem:s19], [sflag:$0x1] =	stream.linear.gather @!p0 [hbm4b:s18+s19], $0x4B00, $0x38;
	[tilespmem:$0x19C80] =	vst v63  }
0x6e: {  	s17 =	sadd.s32 @!p0 s4, s17;
	s18 =	simm.s32 @!p0 $0x4B00  }
0x6f: {  	[tilespmem:s18], [sflag:$0x1] =	stream.linear.gather @!p0 [hbm4b:s17+s19], $0x4B00, $0x38;
	[tilespmem:$0x19C80] =	vst v63  }
0x70: {  	s17 =	simm.s32 $0x0;
	s18 =	simm.s32 $0x9660;
	s19 =	simm.s32 $0xE160  }
.LBB2_7:
0x71: {  	v2 =	vld [tilespmem:s18+$0xFFFFFFA0];
	_ =	sdelay $0x4  }
0x72: {  	v4 =	vld [tilespmem:s19+$0xFFFFFFA0];
	v3 =	vsub.s32 v2, v0  }
0x73: {  	v2 =	vand.u32 $0x7F, v2;
	vm0 =	vlt.u32 v3, $0x7080;
	v3 =	vand.u32 $0xFFFFFF80, v3  }
0x74: {  	v2 =	vor.u32 v2, v3;
	_ =	sdelay $0x2  }
0x75: {  	v3 =	vmul.f32 $1.000000000e+03, v4;
	_ =	sdelay $0x1  }
0x76: {  	[tilespmem:v2+s11+$0x0] =	vst.idx.msk vm0, v3  }
0x77: {  	v2 =	vld [tilespmem:s18+$0xFFFFFFB0];
	_ =	sdelay $0x4  }
0x78: {  	v53 =	vld [tilespmem:s19+$0xFFFFFFB0];
	v3 =	vsub.s32 v2, v0  }
0x79: {  	v2 =	vand.u32 $0x7F, v2;
	vm5 =	vlt.u32 v3, $0x7080;
	v3 =	vand.u32 $0xFFFFFF80, v3  }
0x7a: {  	v2 =	vor.u32 v2, v3;
	_ =	sdelay $0x2  }
0x7b: {  	v3 =	vmul.f32 $1.000000000e+03, v53;
	_ =	sdelay $0x1  }
0x7c: {  	[tilespmem:v2+s11+$0x0] =	vst.idx.msk vm5, v3  }
0x7d: {  	v2 =	vld [tilespmem:s18+$0xFFFFFFC0];
	_ =	sdelay $0x4  }
0x7e: {  	v54 =	vld [tilespmem:s19+$0xFFFFFFC0];
	v3 =	vsub.s32 v2, v0  }
0x7f: {  	v2 =	vand.u32 $0x7F, v2;
	vm6 =	vlt.u32 v3, $0x7080;
	v3 =	vand.u32 $0xFFFFFF80, v3  }
0x80: {  	v2 =	vor.u32 v2, v3;
	_ =	sdelay $0x2  }
0x81: {  	v3 =	vmul.f32 $1.000000000e+03, v54;
	_ =	sdelay $0x1  }
0x82: {  	[tilespmem:v2+s11+$0x0] =	vst.idx.msk vm6, v3  }
0x83: {  	v2 =	vld [tilespmem:s18+$0xFFFFFFD0];
	_ =	sdelay $0x4  }
0x84: {  	v55 =	vld [tilespmem:s19+$0xFFFFFFD0];
	v3 =	vsub.s32 v2, v0  }
0x85: {  	v2 =	vand.u32 $0x7F, v2;
	vm7 =	vlt.u32 v3, $0x7080;
	v3 =	vand.u32 $0xFFFFFF80, v3  }
0x86: {  	v2 =	vor.u32 v2, v3;
	_ =	sdelay $0x2  }
0x87: {  	v3 =	vmul.f32 $1.000000000e+03, v55;
	_ =	sdelay $0x1  }
0x88: {  	[tilespmem:v2+s11+$0x0] =	vst.idx.msk vm7, v3  }
0x89: {  	v2 =	vld [tilespmem:s18+$0xFFFFFFE0];
	_ =	sdelay $0x4  }
0x8a: {  	v56 =	vld [tilespmem:s19+$0xFFFFFFE0];
	v3 =	vsub.s32 v2, v0  }
0x8b: {  	v2 =	vand.u32 $0x7F, v2;
	vm8 =	vlt.u32 v3, $0x7080;
	v3 =	vand.u32 $0xFFFFFF80, v3  }
0x8c: {  	v2 =	vor.u32 v2, v3;
	_ =	sdelay $0x2  }
0x8d: {  	v3 =	vmul.f32 $1.000000000e+03, v56;
	_ =	sdelay $0x1  }
0x8e: {  	[tilespmem:v2+s11+$0x0] =	vst.idx.msk vm8, v3  }
0x8f: {  	v2 =	vld [tilespmem:s18+$0xFFFFFFF0];
	_ =	sdelay $0x4  }
0x90: {  	v57 =	vld [tilespmem:s19+$0xFFFFFFF0];
	v3 =	vsub.s32 v2, v0  }
0x91: {  	v2 =	vand.u32 $0x7F, v2;
	vm9 =	vlt.u32 v3, $0x7080;
	v3 =	vand.u32 $0xFFFFFF80, v3  }
0x92: {  	v2 =	vor.u32 v2, v3;
	_ =	sdelay $0x2  }
0x93: {  	v3 =	vmul.f32 $1.000000000e+03, v57;
	_ =	sdelay $0x1  }
0x94: {  	[tilespmem:v2+s11+$0x0] =	vst.idx.msk vm9, v3  }
0x95: {  	v2 =	vld [tilespmem:s18+$0x0];
	_ =	sdelay $0x4  }
0x96: {  	v58 =	vld [tilespmem:s19+$0x0];
	v3 =	vsub.s32 v2, v0  }
0x97: {  	v2 =	vand.u32 $0x7F, v2;
	vm10 =	vlt.u32 v3, $0x7080;
	v3 =	vand.u32 $0xFFFFFF80, v3  }
0x98: {  	v2 =	vor.u32 v2, v3;
	_ =	sdelay $0x2  }
0x99: {  	v3 =	vmul.f32 $1.000000000e+03, v58;
	_ =	sdelay $0x1  }
0x9a: {  	[tilespmem:v2+s11+$0x0] =	vst.idx.msk vm10, v3  }
0x9b: {  	v2 =	vld [tilespmem:s18+$0x10];
	_ =	sdelay $0x4  }
0x9c: {  	v59 =	vld [tilespmem:s19+$0x10];
	v3 =	vsub.s32 v2, v0  }
0x9d: {  	v2 =	vand.u32 $0x7F, v2;
	vm11 =	vlt.u32 v3, $0x7080;
	v3 =	vand.u32 $0xFFFFFF80, v3  }
0x9e: {  	v2 =	vor.u32 v2, v3;
	_ =	sdelay $0x2  }
0x9f: {  	v3 =	vmul.f32 $1.000000000e+03, v59;
	_ =	sdelay $0x1  }
0xa0: {  	s20 =	sand.u32 $0x7FC0, s17;
	[tilespmem:v2+s11+$0x0] =	vst.idx.msk vm11, v3  }
0xa1: {  	v2 =	vld [tilespmem:s20+$0x9680];
	_ =	sdelay $0x4  }
0xa2: {  	v60 =	vld [tilespmem:s20+$0xE180];
	v3 =	vsub.s32 v2, v0  }
0xa3: {  	v2 =	vand.u32 $0x7F, v2;
	vm12 =	vlt.u32 v3, $0x7080;
	v3 =	vand.u32 $0xFFFFFF80, v3  }
0xa4: {  	v2 =	vor.u32 v2, v3;
	_ =	sdelay $0x2  }
0xa5: {  	v3 =	vmul.f32 $1.000000000e+03, v60;
	_ =	sdelay $0x1  }
0xa6: {  	[tilespmem:v2+s11+$0x0] =	vst.idx.msk vm12, v3  }
0xa7: {  	v2 =	vld [tilespmem:s18+$0x30];
	_ =	sdelay $0x4  }
0xa8: {  	v61 =	vld [tilespmem:s19+$0x30];
	v3 =	vsub.s32 v2, v0  }
0xa9: {  	v2 =	vand.u32 $0x7F, v2;
	vm13 =	vlt.u32 v3, $0x7080;
	v3 =	vand.u32 $0xFFFFFF80, v3  }
0xaa: {  	v2 =	vor.u32 v2, v3;
	_ =	sdelay $0x2  }
0xab: {  	v3 =	vmul.f32 $1.000000000e+03, v61;
	_ =	sdelay $0x1  }
0xac: {  	[tilespmem:v2+s11+$0x0] =	vst.idx.msk vm13, v3  }
0xad: {  	v2 =	vld [tilespmem:s18+$0x40];
	_ =	sdelay $0x4  }
0xae: {  	v62 =	vld [tilespmem:s19+$0x40];
	v3 =	vsub.s32 v2, v0  }
0xaf: {  	v2 =	vand.u32 $0x7F, v2;
	vm14 =	vlt.u32 v3, $0x7080;
	v3 =	vand.u32 $0xFFFFFF80, v3  }
0xb0: {  	v2 =	vor.u32 v2, v3;
	_ =	sdelay $0x2  }
0xb1: {  	v3 =	vmul.f32 $1.000000000e+03, v62;
	_ =	sdelay $0x1  }
0xb2: {  	[tilespmem:v2+s11+$0x0] =	vst.idx.msk vm14, v3  }
0xb3: {  	v2 =	vld [tilespmem:s18+$0x50];
	_ =	sdelay $0x4  }
0xb4: {  	v63 =	vld [tilespmem:s19+$0x50];
	v3 =	vsub.s32 v2, v0  }
0xb5: {  	v2 =	vand.u32 $0x7F, v2;
	vm15 =	vlt.u32 v3, $0x7080;
	v3 =	vand.u32 $0xFFFFFF80, v3  }
0xb6: {  	p0 =	sne.s32 s17, $0x4A40;
	v2 =	vor.u32 v2, v3  }
.Ltmp2:
0xb7: {  	_ = 	snop;
	(pc) =	sbr.rel @p0 .LBB2_7-.Ltmp2, $3  }
0xb8: {  	_ = 	snop  }
0xb9: {  	v3 =	vmul.f32 $1.000000000e+03, v63;
	_ =	sdelay $0x1  }
0xba: {  	s17 =	sadd.s32 $0xC0, s17;
	s18 =	sadd.s32 $0xC0, s18;
	s19 =	sadd.s32 $0xC0, s19;
	[tilespmem:v2+s11+$0x0] =	vst.idx.msk vm15, v3  }
0xbb: {  	s16 =	sadd.s32 $0x1, s16  }
0xbc: {  	p0 =	sne.s32 s16, $0x18  }
.Ltmp3:
0xbd: {  	_ = 	snop;
	(pc) =	sbr.rel @p0 .LBB2_4-.Ltmp3, $1  }
0xbe: {  	_ =	sdelay $0x3  }
0xbf: {  	s14 =	sadd.s32 $0x1, s14  }
0xc0: {  	p0 =	sne.s32 s14, s6  }
.Ltmp4:
0xc1: {  	_ = 	snop;
	(pc) =	sbr.rel @p0 .LBB2_1-.Ltmp4, $4  }
0xc2: {  	[hbm4b:s5+s3] =	stream.linear.scatter [tilespmem:s11], [sflag:$0x3], $0x7080, $0x38;
	[tilespmem:$0x19C80] =	vst v63  }
0xc3: {  	_ =	swait.ge [sflag:s13], $0x7080  }
0xc4: {  	[sflag:s13] =	ssyncset.done $0x0  }
0xc5: {  	[sflag:s13] =	ssyncadd.s32 $0xFFFF8F80  }
0xc6: {  	_ =	sfence.sel $0x180000  }
0xc7: {  	[bflag:$0x0] =	sbarrier.arrive $0xFFFF  }
0xc8: {  	p0 =	sne.s32 s0, $0x0;
	_ =	strace $0x90000047  }
0xc9: {  	s0 =	sadd.s32 @!p0 $0x100000, s1;
	[bflag:$0x2] =	sbarrier.arrive $0xFFFF  }
0xca: {  	[sflag:s0] =	ssyncadd.tile.s32 @!p0 $0x1;
	_ =	shalt  }
.Lfunc_end2:
_tile_overlayer_lowered:
.L_overlay_start_2:
0xcb: {  	(tag) =	ssettag $0x2  }
0xcc: {  	s0 =	rddreg [dreg:$0x0];
	s2 =	stileid.u32  }
0xcd: {  	s1 =	rddreg [dreg:$0x1];
	p0 =	sne.s32 s2, $0x0  }
0xce: {  	s3 =	rddreg [dreg:$0x2];
	[bflag:$0x3] =	sbarrier.arrive $0xFFFF;
	s2 =	simm.s32 @!p0 $0x1C03  }
0xcf: {  	[timem:s3], [sflag:s2] =	dma.local @!p0 [hbm:s0], s1  }
0xd0: {  	s0 =	simm.s32 @!p0 $0x3  }
0xd1: {  	_ =	swait.ge @!p0 [sflag:s0], s1  }
0xd2: {  	s1 =	ssub.s32 @!p0 $0x0, s1;
	[sflag:s0] =	ssyncset.done @!p0 $0x0  }
0xd3: {  	[sflag:s0] =	ssyncadd.s32 @!p0 s1  }
0xd4: {  	[bflag:$0x3] =	sbarrier.arrive $0xFFFF  }
0xd5: {  	_ =	shalt  }

</sc_bundles>
